<compile_context>
chip_gen: v7x
topology: tpu7x:2x2x1
jax: 0.10.2.dev20260603
libtpu: 0.0.44.dev20260713+nightly
codegen_flags: <defaults>
</compile_context>

<pallas_src>
import jax
import jax.numpy as jnp
from jax.experimental import pallas as pl
from jax.experimental.pallas import tpu as pltpu

_SCORE_THR = 0.3
_IOU_THR = 0.5
_B = 1024


def _nms_body(ct_ref, out_ref, sup_ref):
    t_tiles = ct_ref.shape[0]
    b = ct_ref.shape[2]
    ri = jax.lax.broadcasted_iota(jnp.int32, (b, b), 0)
    ci = jax.lax.broadcasted_iota(jnp.int32, (b, b), 1)
    thrm = jnp.where(ri < ci, _IOU_THR, jnp.inf)
    eye = jnp.where(ri == ci, 1.0, 0.0).astype(jnp.float32)
    sup_ref[...] = jnp.zeros((t_tiles, 1, b), jnp.float32)
    out_ref[...] = jnp.zeros((t_tiles, 1, b), jnp.float32)
    nv = jnp.sum(ct_ref[:, 4, :]).astype(jnp.int32)
    t_used = (nv + b - 1) // b

    def outer(i, _):
        blk = ct_ref[i]
        x1r, y1r, x2r, y2r, vr = (blk[0:1], blk[1:2], blk[2:3], blk[3:4],
                                  blk[4:5])

        def tocol(v):
            return jax.lax.dot_general(
                eye, v, (((1,), (1,)), ((), ())),
                preferred_element_type=jnp.float32)

        x1c, y1c, x2c, y2c = tocol(x1r), tocol(y1r), tocol(x2r), tocol(y2r)
        ac = (x2c - x1c) * (y2c - y1c)

        def iou_vs(rx1, ry1, rx2, ry2, ra):
            ix1 = jnp.maximum(x1c, rx1)
            iy1 = jnp.maximum(y1c, ry1)
            ix2 = jnp.minimum(x2c, rx2)
            iy2 = jnp.minimum(y2c, ry2)
            inter = jnp.maximum(ix2 - ix1, 0.0) * (iy2 - iy1)
            return inter / jnp.maximum(ac + ra - inter, 1e-8)

        ar = (x2r - x1r) * (y2r - y1r)
        s_self = (iou_vs(x1r, y1r, x2r, y2r, ar) > thrm).astype(jnp.float32)
        alive = vr * (1.0 - sup_ref[i])

        def f_cond(c):
            return c[1]

        def f_body(c):
            k = c[0]
            cnt = jax.lax.dot_general(
                k, s_self, (((1,), (0,)), ((), ())),
                preferred_element_type=jnp.float32)
            knew = alive * jnp.where(cnt > 0.5, 0.0, 1.0)
            return (knew, jnp.any(knew != k))

        k = jax.lax.while_loop(f_cond, f_body, (alive, jnp.array(True)))[0]
        out_ref[i] = k

        def inner(j, _):
            blkj = ct_ref[j]
            jx1, jy1, jx2, jy2 = (blkj[0:1], blkj[1:2], blkj[2:3], blkj[3:4])
            ja = (jx2 - jx1) * (jy2 - jy1)
            s_ij = (iou_vs(jx1, jy1, jx2, jy2, ja) > _IOU_THR).astype(
                jnp.float32)
            cnt = jax.lax.dot_general(
                k, s_ij, (((1,), (0,)), ((), ())),
                preferred_element_type=jnp.float32)
            sup_ref[j] = jnp.maximum(sup_ref[j],
                                     jnp.where(cnt > 0.5, 1.0, 0.0))
            return 0

        jax.lax.fori_loop(i + 1, t_used, inner, 0)
        return 0

    jax.lax.fori_loop(0, t_used, outer, 0)


@jax.jit
def kernel(boxes, scores):
    boxes = boxes.reshape(-1, 7)
    scores = scores.reshape(-1)
    n = boxes.shape[0]
    t_tiles = -(-n // _B)
    npad = t_tiles * _B

    sig = jax.nn.sigmoid(scores)
    valid = sig > _SCORE_THR
    eff = jnp.where(valid, sig, -1.0)
    order = jnp.argsort(-eff)

    cu = boxes[:, 0]
    cv = boxes[:, 2]
    half_l = boxes[:, 5] / 2.0
    half_w = boxes[:, 4] / 2.0
    coords = jnp.stack([cu - half_l, cv - half_w, cu + half_l, cv + half_w,
                        valid.astype(jnp.float32)], 0)
    cs = jnp.pad(coords[:, order], ((0, 3), (0, npad - n)))
    ct = cs.reshape(8, t_tiles, _B).transpose(1, 0, 2)

    keep_blocks = pl.pallas_call(
        _nms_body,
        out_shape=jax.ShapeDtypeStruct((t_tiles, 1, _B), jnp.float32),
        scratch_shapes=[pltpu.VMEM((t_tiles, 1, _B), jnp.float32)],
    )(ct)

    keep_sorted = keep_blocks.reshape(npad)[:n]
    keep = jnp.zeros((n,), jnp.float32).at[order].set(keep_sorted)
    out = jnp.concatenate([boxes * keep[:, None], (sig * keep)[:, None]],
                          axis=1)
    return out

# --- scband reference (transcript-rebuilt; emitter-appended) ---
"""Pipeline reference for scband-alignment-head-1073741824619 (READ-ONLY COPY).

The authoritative reference and input builder live on the scoring server;
editing this copy changes nothing except your own understanding.
"""

import jax, jax.numpy as jnp
import numpy as np

SCORE_THR = 0.3
IOU_THR = 0.5


def setup_inputs(seed: int = 0) -> dict:
    key = jax.random.key(seed)
    k1, k2 = jax.random.split(key)
    # boxes3d: (x, y, z, h, w, l, ry) in camera coords; scale uniform [0,1) to realistic ranges
    raw = jax.random.uniform(k1, (20000, 7), dtype=jnp.float32)
    scale = jnp.array([100.0, 4.0, 100.0, 3.0, 3.0, 6.0, 3.14159], dtype=jnp.float32)
    offset = jnp.array([0.0, -2.0, 0.0, 0.5, 0.5, 0.5, -1.5708], dtype=jnp.float32)
    boxes = raw * scale + offset
    scores = jax.random.normal(k2, (20000,), dtype=jnp.float32)
    return {"boxes": boxes, "scores": scores}


def boxes3d_to_bev(boxes3d):
    # torch boxes3d_to_bev_torch: bev = [x1, z1, x2, z2, ry]
    cu = boxes3d[:, 0]
    cv = boxes3d[:, 2]
    half_l = boxes3d[:, 5] / 2.0
    half_w = boxes3d[:, 4] / 2.0
    return jnp.stack([cu - half_l, cv - half_w, cu + half_l, cv + half_w, boxes3d[:, 6]], axis=1)


def _iou_row(box, boxes):
    x1 = jnp.maximum(box[0], boxes[:, 0])
    y1 = jnp.maximum(box[1], boxes[:, 1])
    x2 = jnp.minimum(box[2], boxes[:, 2])
    y2 = jnp.minimum(box[3], boxes[:, 3])
    inter = jnp.clip(x2 - x1, 0.0) * jnp.clip(y2 - y1, 0.0)
    area_a = (box[2] - box[0]) * (box[3] - box[1])
    area_b = (boxes[:, 2] - boxes[:, 0]) * (boxes[:, 3] - boxes[:, 1])
    return inter / jnp.clip(area_a + area_b - inter, 1e-8)


def _greedy_nms(bev_sorted):
    n = bev_sorted.shape[0]
    idx = jnp.arange(n)

    def body(i, keep):
        iou = _iou_row(bev_sorted[i], bev_sorted)
        suppress = (iou > IOU_THR) & (idx > i) & keep[i]
        return keep & (~suppress)

    return jax.lax.fori_loop(0, n, body, jnp.ones((n,), dtype=bool))


def reference(boxes, scores):
    # get_rescore_bboxes pipeline for one batch element:
    # sigmoid -> score threshold -> boxes3d_to_bev -> rotated NMS (axis-aligned BEV IoU) -> select
    boxes = boxes.reshape(-1, 7)
    sig = jax.nn.sigmoid(scores.reshape(-1))
    valid = sig > SCORE_THR
    eff = jnp.where(valid, sig, -1.0)
    order = jnp.argsort(-eff)
    bev = boxes3d_to_bev(boxes)
    bev_sorted = bev[order]
    keep_sorted = _greedy_nms(bev_sorted) & valid[order]
    inv = jnp.argsort(order)
    keep = jax.lax.stop_gradient(keep_sorted[inv])
    kf = keep.astype(boxes.dtype)
    out = jnp.concatenate([boxes * kf[:, None], (sig * kf)[:, None]], axis=1)
    return out

if __name__ == "__main__":
    import jax
    _d = setup_inputs()
    print(jax.jit(kernel)(*tuple(_d.values())))

</pallas_src>

<mosaic_0001>
module attributes {stable_mosaic.version = 14 : i64} {
  func.func @_nms_body(%arg0: memref<20x8x1024xf32, #tpu.memory_space<vmem>>, %arg1: memref<20x1x1024xf32, #tpu.memory_space<vmem>>, %arg2: memref<20x1x1024xf32, #tpu.memory_space<vmem>>) attributes {dimension_semantics = [], scalar_prefetch = 0 : i64, scratch_operands = 1 : i64, tpu.core_type = #tpu.core_type<tc>} {
    %iota3A = tpu.iota {dimensions = array<i32: 0>} : vector<1024x1024xi32>
    %iota3A_0 = tpu.iota {dimensions = array<i32: 1>} : vector<1024x1024xi32>
    %lt3A = arith.cmpi slt, %iota3A, %iota3A_0 : vector<1024x1024xi32>
    %jit3A = arith.constant 5.000000e-01 : f32
    %jit3A_1 = arith.constant 0x7F800000 : f32
    %broadcast_in_dim3A = vector.broadcast %jit3A : f32 to vector<1024x1024xf32>
    %broadcast_in_dim3A_2 = vector.broadcast %jit3A_1 : f32 to vector<1024x1024xf32>
    %select_n3A = arith.select %lt3A, %broadcast_in_dim3A, %broadcast_in_dim3A_2 : vector<1024x1024xi1>, vector<1024x1024xf32>
    %eq3A = arith.cmpi eq, %iota3A, %iota3A_0 : vector<1024x1024xi32>
    %jit3A_3 = arith.constant 1.000000e+00 : f32
    %jit3A_4 = arith.constant 0.000000e+00 : f32
    %broadcast_in_dim3A_5 = vector.broadcast %jit3A_3 : f32 to vector<1024x1024xf32>
    %broadcast_in_dim3A_6 = vector.broadcast %jit3A_4 : f32 to vector<1024x1024xf32>
    %select_n3A_7 = arith.select %eq3A, %broadcast_in_dim3A_5, %broadcast_in_dim3A_6 : vector<1024x1024xi1>, vector<1024x1024xf32>
    %broadcast_in_dim3A_8 = arith.constant 0.000000e+00 : f32
    %broadcast_in_dim3A_9 = vector.broadcast %broadcast_in_dim3A_8 : f32 to vector<20x1x1024xf32>
    %swap3A = arith.constant 0 : index
    %swap3A_10 = arith.constant 0 : index
    %swap3A_11 = arith.constant 0 : index
    %swap3A_12 = vector.load %arg2[%swap3A, %swap3A_10, %swap3A_11] : memref<20x1x1024xf32, #tpu.memory_space<vmem>>, vector<20x1x1024xf32>
    tpu.vector_store %arg2[%swap3A, %swap3A_10, %swap3A_11], %broadcast_in_dim3A_9 {strides = array<i32>} : memref<20x1x1024xf32, #tpu.memory_space<vmem>>, vector<20x1x1024xf32>,
    %broadcast_in_dim3A_13 = arith.constant 0.000000e+00 : f32
    %broadcast_in_dim3A_14 = vector.broadcast %broadcast_in_dim3A_13 : f32 to vector<20x1x1024xf32>
    %swap3A_15 = arith.constant 0 : index
    %swap3A_16 = arith.constant 0 : index
    %swap3A_17 = arith.constant 0 : index
    %swap3A_18 = vector.load %arg1[%swap3A_15, %swap3A_16, %swap3A_17] : memref<20x1x1024xf32, #tpu.memory_space<vmem>>, vector<20x1x1024xf32>
    tpu.vector_store %arg1[%swap3A_15, %swap3A_16, %swap3A_17], %broadcast_in_dim3A_14 {strides = array<i32>} : memref<20x1x1024xf32, #tpu.memory_space<vmem>>, vector<20x1x1024xf32>,
    %get3A = arith.constant 0 : index
    %get3A_19 = arith.constant 4 : index
    %get3A_20 = arith.constant 0 : index
    %get3A_21 = vector.load %arg0[%get3A, %get3A_19, %get3A_20] : memref<20x8x1024xf32, #tpu.memory_space<vmem>>, vector<20x1x1024xf32>
    %get3A_22 = vector.shape_cast %get3A_21 : vector<20x1x1024xf32> to vector<20x1024xf32>
    %reduce_sum3A = vector.shape_cast %get3A_22 : vector<20x1024xf32> to vector<1x20x1024xf32>
    %reduce_sum3A_23 = arith.constant dense<0.000000e+00> : vector<1xf32>
    %reduce_sum3A_24 = vector.multi_reduction <add>, %reduce_sum3A, %reduce_sum3A_23 [1, 2] : vector<1x20x1024xf32> to vector<1xf32>
    %reduce_sum3A_25 = vector.shape_cast %reduce_sum3A_24 : vector<1xf32> to vector<1x1x1xf32>
    %reduce_sum3A_26 = vector.extract %reduce_sum3A_25[0, 0, 0] : f32 from vector<1x1x1xf32>
    %convert_element_type3A = arith.fptosi %reduce_sum3A_26 : f32 to i32
    %add3A = arith.constant 1024 : i32
    %add3A_27 = arith.addi %convert_element_type3A, %add3A : i32
    %sub3A = arith.constant 1 : i32
    %sub3A_28 = arith.subi %add3A_27, %sub3A : i32
    %jit3A_29 = arith.constant 1024 : i32
    %div3A = arith.divsi %sub3A_28, %jit3A_29 : i32
    %sign3A = arith.constant 0 : i32
    %sign3A_30 = arith.cmpi sgt, %sub3A_28, %sign3A : i32
    %sign3A_31 = arith.extui %sign3A_30 : i1 to i32
    %sign3A_32 = arith.constant 0 : i32
    %sign3A_33 = arith.cmpi slt, %sub3A_28, %sign3A_32 : i32
    %sign3A_34 = arith.extui %sign3A_33 : i1 to i32
    %sign3A_35 = arith.subi %sign3A_31, %sign3A_34 : i32
    %sign3A_36 = arith.constant 0 : i32
    %sign3A_37 = arith.cmpi sgt, %jit3A_29, %sign3A_36 : i32
    %sign3A_38 = arith.extui %sign3A_37 : i1 to i32
    %sign3A_39 = arith.constant 0 : i32
    %sign3A_40 = arith.cmpi slt, %jit3A_29, %sign3A_39 : i32
    %sign3A_41 = arith.extui %sign3A_40 : i1 to i32
    %sign3A_42 = arith.subi %sign3A_38, %sign3A_41 : i32
    %ne3A = arith.cmpi ne, %sign3A_35, %sign3A_42 : i32
    %rem3A = arith.remsi %sub3A_28, %jit3A_29 : i32
    %ne3A_43 = arith.constant 0 : i32
    %ne3A_44 = arith.cmpi ne, %rem3A, %ne3A_43 : i32
    %and3A = arith.andi %ne3A, %ne3A_44 : i1
    %sub3A_45 = arith.constant 1 : i32
    %sub3A_46 = arith.subi %div3A, %sub3A_45 : i32
    %select_n3A_47 = arith.select %and3A, %sub3A_46, %div3A : i32
    %while3A = arith.constant 0 : i32
    %while3A_48 = arith.constant 0 : i32
    %while3A_49 = arith.subi %select_n3A_47, %while3A : i32
    %while3A_50 = arith.addi %while3A, %while3A_49 : i32
    %while3A_51 = arith.constant 1 : i32
    %while3A_52 = arith.divsi %while3A_49, %while3A_51 : i32
    %while3A_53 = arith.muli %while3A_52, %while3A_51 : i32
    %while3A_54 = arith.addi %while3A, %while3A_53 : i32
    %while3A_55 = arith.constant 1 : i32
    %while3A_56 = scf.for %while3A_59 = %while3A to %while3A_54 step %while3A_55 iter_args(%while3A_60 = %while3A_48) -> (i32)  : i32 {
      %get3A_61 = arith.index_cast %while3A_59 : i32 to index
      %get3A_62 = arith.constant 0 : index
      %get3A_63 = arith.constant 0 : index
      %get3A_64 = vector.load %arg0[%get3A_61, %get3A_62, %get3A_63] : memref<20x8x1024xf32, #tpu.memory_space<vmem>>, vector<1x8x1024xf32>
      %get3A_65 = vector.shape_cast %get3A_64 : vector<1x8x1024xf32> to vector<8x1024xf32>
      %slice3A = vector.extract_strided_slice %get3A_65 {offsets = [0, 0], sizes = [1, 1024], strides = [1, 1]} : vector<8x1024xf32> to vector<1x1024xf32>
      %slice3A_66 = vector.extract_strided_slice %get3A_65 {offsets = [1, 0], sizes = [1, 1024], strides = [1, 1]} : vector<8x1024xf32> to vector<1x1024xf32>
      %slice3A_67 = vector.extract_strided_slice %get3A_65 {offsets = [2, 0], sizes = [1, 1024], strides = [1, 1]} : vector<8x1024xf32> to vector<1x1024xf32>
      %slice3A_68 = vector.extract_strided_slice %get3A_65 {offsets = [3, 0], sizes = [1, 1024], strides = [1, 1]} : vector<8x1024xf32> to vector<1x1024xf32>
      %slice3A_69 = vector.extract_strided_slice %get3A_65 {offsets = [4, 0], sizes = [1, 1024], strides = [1, 1]} : vector<8x1024xf32> to vector<1x1024xf32>
      %dot_general3A = arith.constant dense<0.000000e+00> : vector<1024x1xf32>
      %dot_general3A_70 = tpu.matmul %select_n3A_7, %slice3A, %dot_general3A {dimension_numbers = #tpu.dot_dimension_numbers<[1], [1], [0], [0], [0, 0, 1, 0], [], []>, transpose_lhs_hint = false} : vector<1024x1024xf32>, vector<1x1024xf32>, vector<1024x1xf32> -> vector<1024x1xf32>
      %dot_general3A_71 = arith.constant dense<0.000000e+00> : vector<1024x1xf32>
      %dot_general3A_72 = tpu.matmul %select_n3A_7, %slice3A_66, %dot_general3A_71 {dimension_numbers = #tpu.dot_dimension_numbers<[1], [1], [0], [0], [0, 0, 1, 0], [], []>, transpose_lhs_hint = false} : vector<1024x1024xf32>, vector<1x1024xf32>, vector<1024x1xf32> -> vector<1024x1xf32>
      %dot_general3A_73 = arith.constant dense<0.000000e+00> : vector<1024x1xf32>
      %dot_general3A_74 = tpu.matmul %select_n3A_7, %slice3A_67, %dot_general3A_73 {dimension_numbers = #tpu.dot_dimension_numbers<[1], [1], [0], [0], [0, 0, 1, 0], [], []>, transpose_lhs_hint = false} : vector<1024x1024xf32>, vector<1x1024xf32>, vector<1024x1xf32> -> vector<1024x1xf32>
      %dot_general3A_75 = arith.constant dense<0.000000e+00> : vector<1024x1xf32>
      %dot_general3A_76 = tpu.matmul %select_n3A_7, %slice3A_68, %dot_general3A_75 {dimension_numbers = #tpu.dot_dimension_numbers<[1], [1], [0], [0], [0, 0, 1, 0], [], []>, transpose_lhs_hint = false} : vector<1024x1024xf32>, vector<1x1024xf32>, vector<1024x1xf32> -> vector<1024x1xf32>
      %sub3A_77 = arith.subf %dot_general3A_74, %dot_general3A_70 : vector<1024x1xf32>
      %sub3A_78 = arith.subf %dot_general3A_76, %dot_general3A_72 : vector<1024x1xf32>
      %mul3A = arith.mulf %sub3A_77, %sub3A_78 : vector<1024x1xf32>
      %sub3A_79 = arith.subf %slice3A_67, %slice3A : vector<1x1024xf32>
      %sub3A_80 = arith.subf %slice3A_68, %slice3A_66 : vector<1x1024xf32>
      %mul3A_81 = arith.mulf %sub3A_79, %sub3A_80 : vector<1x1024xf32>
      %max3A = vector.broadcast %dot_general3A_70 : vector<1024x1xf32> to vector<1024x1024xf32>
      %max3A_82 = vector.broadcast %slice3A : vector<1x1024xf32> to vector<1024x1024xf32>
      %max3A_83 = arith.maximumf %max3A, %max3A_82 : vector<1024x1024xf32>
      %max3A_84 = vector.broadcast %dot_general3A_72 : vector<1024x1xf32> to vector<1024x1024xf32>
      %max3A_85 = vector.broadcast %slice3A_66 : vector<1x1024xf32> to vector<1024x1024xf32>
      %max3A_86 = arith.maximumf %max3A_84, %max3A_85 : vector<1024x1024xf32>
      %min3A = vector.broadcast %dot_general3A_74 : vector<1024x1xf32> to vector<1024x1024xf32>
      %min3A_87 = vector.broadcast %slice3A_67 : vector<1x1024xf32> to vector<1024x1024xf32>
      %min3A_88 = arith.minimumf %min3A, %min3A_87 : vector<1024x1024xf32>
      %min3A_89 = vector.broadcast %dot_general3A_76 : vector<1024x1xf32> to vector<1024x1024xf32>
      %min3A_90 = vector.broadcast %slice3A_68 : vector<1x1024xf32> to vector<1024x1024xf32>
      %min3A_91 = arith.minimumf %min3A_89, %min3A_90 : vector<1024x1024xf32>
      %sub3A_92 = arith.subf %min3A_88, %max3A_83 : vector<1024x1024xf32>
      %max3A_93 = arith.constant 0.000000e+00 : f32
      %max3A_94 = vector.broadcast %max3A_93 : f32 to vector<1024x1024xf32>
      %max3A_95 = arith.maximumf %sub3A_92, %max3A_94 : vector<1024x1024xf32>
      %sub3A_96 = arith.subf %min3A_91, %max3A_86 : vector<1024x1024xf32>
      %mul3A_97 = arith.mulf %max3A_95, %sub3A_96 : vector<1024x1024xf32>
      %add3A_98 = vector.broadcast %mul3A : vector<1024x1xf32> to vector<1024x1024xf32>
      %add3A_99 = vector.broadcast %mul3A_81 : vector<1x1024xf32> to vector<1024x1024xf32>
      %add3A_100 = arith.addf %add3A_98, %add3A_99 : vector<1024x1024xf32>
      %sub3A_101 = arith.subf %add3A_100, %mul3A_97 : vector<1024x1024xf32>
      %max3A_102 = arith.constant 9.99999993E-9 : f32
      %max3A_103 = vector.broadcast %max3A_102 : f32 to vector<1024x1024xf32>
      %max3A_104 = arith.maximumf %sub3A_101, %max3A_103 : vector<1024x1024xf32>
      %div3A_105 = arith.divf %mul3A_97, %max3A_104 : vector<1024x1024xf32>
      %gt3A = arith.cmpf ogt, %div3A_105, %select_n3A : vector<1024x1024xf32>
      %convert_element_type3A_106 = arith.extui %gt3A : vector<1024x1024xi1> to vector<1024x1024xi32>
      %convert_element_type3A_107 = arith.sitofp %convert_element_type3A_106 : vector<1024x1024xi32> to vector<1024x1024xf32>
      %get3A_108 = arith.index_cast %while3A_59 : i32 to index
      %get3A_109 = arith.constant 0 : index
      %get3A_110 = arith.constant 0 : index
      %get3A_111 = vector.load %arg2[%get3A_108, %get3A_109, %get3A_110] : memref<20x1x1024xf32, #tpu.memory_space<vmem>>, vector<1x1x1024xf32>
      %get3A_112 = vector.shape_cast %get3A_111 : vector<1x1x1024xf32> to vector<1x1024xf32>
      %sub3A_113 = arith.constant 1.000000e+00 : f32
      %sub3A_114 = vector.broadcast %sub3A_113 : f32 to vector<1x1024xf32>
      %sub3A_115 = arith.subf %sub3A_114, %get3A_112 : vector<1x1024xf32>
      %mul3A_116 = arith.mulf %slice3A_69, %sub3A_115 : vector<1x1024xf32>
      %while3A_117 = arith.constant true
      %while3A_118:2 = scf.while (%while3A_139 = %mul3A_116, %while3A_140 = %while3A_117) : (vector<1x1024xf32>, i1) -> (vector<1x1024xf32>, i1) {
        scf.condition(%while3A_140) %while3A_139, %while3A_140 : vector<1x1024xf32>, i1
      } do {
      ^bb0(%while3A_139: vector<1x1024xf32>, %while3A_140: i1):
        %dot_general3A_141 = arith.constant dense<0.000000e+00> : vector<1x1024xf32>
        %dot_general3A_142 = tpu.matmul %while3A_139, %convert_element_type3A_107, %dot_general3A_141 {dimension_numbers = #tpu.dot_dimension_numbers<[1], [0], [0], [1], [0, 0, 1, 1], [], []>, transpose_lhs_hint = false} : vector<1x1024xf32>, vector<1024x1024xf32>, vector<1x1024xf32> -> vector<1x1024xf32>
        %gt3A_143 = arith.constant 5.000000e-01 : f32
        %gt3A_144 = vector.broadcast %gt3A_143 : f32 to vector<1x1024xf32>
        %gt3A_145 = arith.cmpf ogt, %dot_general3A_142, %gt3A_144 : vector<1x1024xf32>
        %jit3A_146 = arith.constant 0.000000e+00 : f32
        %jit3A_147 = arith.constant 1.000000e+00 : f32
        %broadcast_in_dim3A_148 = vector.broadcast %jit3A_146 : f32 to vector<1x1024xf32>
        %broadcast_in_dim3A_149 = vector.broadcast %jit3A_147 : f32 to vector<1x1024xf32>
        %select_n3A_150 = arith.select %gt3A_145, %broadcast_in_dim3A_148, %broadcast_in_dim3A_149 : vector<1x1024xi1>, vector<1x1024xf32>
        %mul3A_151 = arith.mulf %mul3A_116, %select_n3A_150 : vector<1x1024xf32>
        %ne3A_152 = arith.cmpf one, %mul3A_151, %while3A_139 : vector<1x1024xf32>
        %reduce_or3A = arith.constant 1.000000e+00 : f32
        %reduce_or3A_153 = arith.constant 0.000000e+00 : f32
        %reduce_or3A_154 = vector.broadcast %reduce_or3A : f32 to vector<1x1024xf32>
        %reduce_or3A_155 = vector.broadcast %reduce_or3A_153 : f32 to vector<1x1024xf32>
        %reduce_or3A_156 = arith.select %ne3A_152, %reduce_or3A_154, %reduce_or3A_155 : vector<1x1024xi1>, vector<1x1024xf32>
        %reduce_or3A_157 = vector.shape_cast %reduce_or3A_156 : vector<1x1024xf32> to vector<1x1x1024xf32>
        %reduce_or3A_158 = arith.constant dense<0xFF800000> : vector<1xf32>
        %reduce_or3A_159 = vector.multi_reduction <maximumf>, %reduce_or3A_157, %reduce_or3A_158 [1, 2] : vector<1x1x1024xf32> to vector<1xf32>
        %reduce_or3A_160 = vector.shape_cast %reduce_or3A_159 : vector<1xf32> to vector<1x1x1xf32>
        %reduce_or3A_161 = vector.extract %reduce_or3A_160[0, 0, 0] : f32 from vector<1x1x1xf32>
        %reduce_or3A_162 = arith.constant 0.000000e+00 : f32
        %reduce_or3A_163 = arith.cmpf ogt, %reduce_or3A_161, %reduce_or3A_162 : f32
        scf.yield %mul3A_151, %reduce_or3A_163 : vector<1x1024xf32>, i1
      }
      %swap3A_119 = arith.index_cast %while3A_59 : i32 to index
      %swap3A_120 = arith.constant 0 : index
      %swap3A_121 = arith.constant 0 : index
      %swap3A_122 = vector.load %arg1[%swap3A_119, %swap3A_120, %swap3A_121] : memref<20x1x1024xf32, #tpu.memory_space<vmem>>, vector<1x1x1024xf32>
      %swap3A_123 = vector.shape_cast %swap3A_122 : vector<1x1x1024xf32> to vector<1x1024xf32>
      %swap3A_124 = vector.shape_cast %while3A_118#0 : vector<1x1024xf32> to vector<1x1x1024xf32>
      tpu.vector_store %arg1[%swap3A_119, %swap3A_120, %swap3A_121], %swap3A_124 {strides = array<i32>} : memref<20x1x1024xf32, #tpu.memory_space<vmem>>, vector<1x1x1024xf32>,
      %add3A_125 = arith.constant 1 : i32
      %add3A_126 = arith.addi %while3A_59, %add3A_125 : i32
      %while3A_127 = arith.constant 0 : i32
      %while3A_128 = arith.subi %select_n3A_47, %add3A_126 : i32
      %while3A_129 = arith.addi %add3A_126, %while3A_128 : i32
      %while3A_130 = arith.constant 1 : i32
      %while3A_131 = arith.divsi %while3A_128, %while3A_130 : i32
      %while3A_132 = arith.muli %while3A_131, %while3A_130 : i32
      %while3A_133 = arith.addi %add3A_126, %while3A_132 : i32
      %while3A_134 = arith.constant 1 : i32
      %while3A_135 = scf.for %while3A_139 = %add3A_126 to %while3A_133 step %while3A_134 iter_args(%while3A_140 = %while3A_127) -> (i32)  : i32 {
        %get3A_141 = arith.index_cast %while3A_139 : i32 to index
        %get3A_142 = arith.constant 0 : index
        %get3A_143 = arith.constant 0 : index
        %get3A_144 = vector.load %arg0[%get3A_141, %get3A_142, %get3A_143] : memref<20x8x1024xf32, #tpu.memory_space<vmem>>, vector<1x8x1024xf32>
        %get3A_145 = vector.shape_cast %get3A_144 : vector<1x8x1024xf32> to vector<8x1024xf32>
        %slice3A_146 = vector.extract_strided_slice %get3A_145 {offsets = [0, 0], sizes = [1, 1024], strides = [1, 1]} : vector<8x1024xf32> to vector<1x1024xf32>
        %slice3A_147 = vector.extract_strided_slice %get3A_145 {offsets = [1, 0], sizes = [1, 1024], strides = [1, 1]} : vector<8x1024xf32> to vector<1x1024xf32>
        %slice3A_148 = vector.extract_strided_slice %get3A_145 {offsets = [2, 0], sizes = [1, 1024], strides = [1, 1]} : vector<8x1024xf32> to vector<1x1024xf32>
        %slice3A_149 = vector.extract_strided_slice %get3A_145 {offsets = [3, 0], sizes = [1, 1024], strides = [1, 1]} : vector<8x1024xf32> to vector<1x1024xf32>
        %sub3A_150 = arith.subf %slice3A_148, %slice3A_146 : vector<1x1024xf32>
        %sub3A_151 = arith.subf %slice3A_149, %slice3A_147 : vector<1x1024xf32>
        %mul3A_152 = arith.mulf %sub3A_150, %sub3A_151 : vector<1x1024xf32>
        %max3A_153 = vector.broadcast %dot_general3A_70 : vector<1024x1xf32> to vector<1024x1024xf32>
        %max3A_154 = vector.broadcast %slice3A_146 : vector<1x1024xf32> to vector<1024x1024xf32>
        %max3A_155 = arith.maximumf %max3A_153, %max3A_154 : vector<1024x1024xf32>
        %max3A_156 = vector.broadcast %dot_general3A_72 : vector<1024x1xf32> to vector<1024x1024xf32>
        %max3A_157 = vector.broadcast %slice3A_147 : vector<1x1024xf32> to vector<1024x1024xf32>
        %max3A_158 = arith.maximumf %max3A_156, %max3A_157 : vector<1024x1024xf32>
        %min3A_159 = vector.broadcast %dot_general3A_74 : vector<1024x1xf32> to vector<1024x1024xf32>
        %min3A_160 = vector.broadcast %slice3A_148 : vector<1x1024xf32> to vector<1024x1024xf32>
        %min3A_161 = arith.minimumf %min3A_159, %min3A_160 : vector<1024x1024xf32>
        %min3A_162 = vector.broadcast %dot_general3A_76 : vector<1024x1xf32> to vector<1024x1024xf32>
        %min3A_163 = vector.broadcast %slice3A_149 : vector<1x1024xf32> to vector<1024x1024xf32>
        %min3A_164 = arith.minimumf %min3A_162, %min3A_163 : vector<1024x1024xf32>
        %sub3A_165 = arith.subf %min3A_161, %max3A_155 : vector<1024x1024xf32>
        %max3A_166 = arith.constant 0.000000e+00 : f32
        %max3A_167 = vector.broadcast %max3A_166 : f32 to vector<1024x1024xf32>
        %max3A_168 = arith.maximumf %sub3A_165, %max3A_167 : vector<1024x1024xf32>
        %sub3A_169 = arith.subf %min3A_164, %max3A_158 : vector<1024x1024xf32>
        %mul3A_170 = arith.mulf %max3A_168, %sub3A_169 : vector<1024x1024xf32>
        %add3A_171 = vector.broadcast %mul3A : vector<1024x1xf32> to vector<1024x1024xf32>
        %add3A_172 = vector.broadcast %mul3A_152 : vector<1x1024xf32> to vector<1024x1024xf32>
        %add3A_173 = arith.addf %add3A_171, %add3A_172 : vector<1024x1024xf32>
        %sub3A_174 = arith.subf %add3A_173, %mul3A_170 : vector<1024x1024xf32>
        %max3A_175 = arith.constant 9.99999993E-9 : f32
        %max3A_176 = vector.broadcast %max3A_175 : f32 to vector<1024x1024xf32>
        %max3A_177 = arith.maximumf %sub3A_174, %max3A_176 : vector<1024x1024xf32>
        %div3A_178 = arith.divf %mul3A_170, %max3A_177 : vector<1024x1024xf32>
        %gt3A_179 = arith.constant 5.000000e-01 : f32
        %gt3A_180 = vector.broadcast %gt3A_179 : f32 to vector<1024x1024xf32>
        %gt3A_181 = arith.cmpf ogt, %div3A_178, %gt3A_180 : vector<1024x1024xf32>
        %convert_element_type3A_182 = arith.extui %gt3A_181 : vector<1024x1024xi1> to vector<1024x1024xi32>
        %convert_element_type3A_183 = arith.sitofp %convert_element_type3A_182 : vector<1024x1024xi32> to vector<1024x1024xf32>
        %dot_general3A_184 = arith.constant dense<0.000000e+00> : vector<1x1024xf32>
        %dot_general3A_185 = tpu.matmul %while3A_118#0, %convert_element_type3A_183, %dot_general3A_184 {dimension_numbers = #tpu.dot_dimension_numbers<[1], [0], [0], [1], [0, 0, 1, 1], [], []>, transpose_lhs_hint = false} : vector<1x1024xf32>, vector<1024x1024xf32>, vector<1x1024xf32> -> vector<1x1024xf32>
        %get3A_186 = arith.index_cast %while3A_139 : i32 to index
        %get3A_187 = arith.constant 0 : index
        %get3A_188 = arith.constant 0 : index
        %get3A_189 = vector.load %arg2[%get3A_186, %get3A_187, %get3A_188] : memref<20x1x1024xf32, #tpu.memory_space<vmem>>, vector<1x1x1024xf32>
        %get3A_190 = vector.shape_cast %get3A_189 : vector<1x1x1024xf32> to vector<1x1024xf32>
        %gt3A_191 = arith.constant 5.000000e-01 : f32
        %gt3A_192 = vector.broadcast %gt3A_191 : f32 to vector<1x1024xf32>
        %gt3A_193 = arith.cmpf ogt, %dot_general3A_185, %gt3A_192 : vector<1x1024xf32>
        %jit3A_194 = arith.constant 1.000000e+00 : f32
        %jit3A_195 = arith.constant 0.000000e+00 : f32
        %broadcast_in_dim3A_196 = vector.broadcast %jit3A_194 : f32 to vector<1x1024xf32>
        %broadcast_in_dim3A_197 = vector.broadcast %jit3A_195 : f32 to vector<1x1024xf32>
        %select_n3A_198 = arith.select %gt3A_193, %broadcast_in_dim3A_196, %broadcast_in_dim3A_197 : vector<1x1024xi1>, vector<1x1024xf32>
        %max3A_199 = arith.maximumf %get3A_190, %select_n3A_198 : vector<1x1024xf32>
        %swap3A_200 = arith.index_cast %while3A_139 : i32 to index
        %swap3A_201 = arith.constant 0 : index
        %swap3A_202 = arith.constant 0 : index
        %swap3A_203 = vector.load %arg2[%swap3A_200, %swap3A_201, %swap3A_202] : memref<20x1x1024xf32, #tpu.memory_space<vmem>>, vector<1x1x1024xf32>
        %swap3A_204 = vector.shape_cast %swap3A_203 : vector<1x1x1024xf32> to vector<1x1024xf32>
        %swap3A_205 = vector.shape_cast %max3A_199 : vector<1x1024xf32> to vector<1x1x1024xf32>
        tpu.vector_store %arg2[%swap3A_200, %swap3A_201, %swap3A_202], %swap3A_205 {strides = array<i32>} : memref<20x1x1024xf32, #tpu.memory_space<vmem>>, vector<1x1x1024xf32>,
        %while3A_206 = arith.constant 0 : i32
        scf.yield %while3A_206 : i32
      }
      %while3A_136 = arith.constant 1 : i32
      %while3A_137 = scf.for %while3A_139 = %while3A_133 to %while3A_129 step %while3A_136 iter_args(%while3A_140 = %while3A_135) -> (i32)  : i32 {
        %get3A_141 = arith.index_cast %while3A_139 : i32 to index
        %get3A_142 = arith.constant 0 : index
        %get3A_143 = arith.constant 0 : index
        %get3A_144 = vector.load %arg0[%get3A_141, %get3A_142, %get3A_143] : memref<20x8x1024xf32, #tpu.memory_space<vmem>>, vector<1x8x1024xf32>
        %get3A_145 = vector.shape_cast %get3A_144 : vector<1x8x1024xf32> to vector<8x1024xf32>
        %slice3A_146 = vector.extract_strided_slice %get3A_145 {offsets = [0, 0], sizes = [1, 1024], strides = [1, 1]} : vector<8x1024xf32> to vector<1x1024xf32>
        %slice3A_147 = vector.extract_strided_slice %get3A_145 {offsets = [1, 0], sizes = [1, 1024], strides = [1, 1]} : vector<8x1024xf32> to vector<1x1024xf32>
        %slice3A_148 = vector.extract_strided_slice %get3A_145 {offsets = [2, 0], sizes = [1, 1024], strides = [1, 1]} : vector<8x1024xf32> to vector<1x1024xf32>
        %slice3A_149 = vector.extract_strided_slice %get3A_145 {offsets = [3, 0], sizes = [1, 1024], strides = [1, 1]} : vector<8x1024xf32> to vector<1x1024xf32>
        %sub3A_150 = arith.subf %slice3A_148, %slice3A_146 : vector<1x1024xf32>
        %sub3A_151 = arith.subf %slice3A_149, %slice3A_147 : vector<1x1024xf32>
        %mul3A_152 = arith.mulf %sub3A_150, %sub3A_151 : vector<1x1024xf32>
        %max3A_153 = vector.broadcast %dot_general3A_70 : vector<1024x1xf32> to vector<1024x1024xf32>
        %max3A_154 = vector.broadcast %slice3A_146 : vector<1x1024xf32> to vector<1024x1024xf32>
        %max3A_155 = arith.maximumf %max3A_153, %max3A_154 : vector<1024x1024xf32>
        %max3A_156 = vector.broadcast %dot_general3A_72 : vector<1024x1xf32> to vector<1024x1024xf32>
        %max3A_157 = vector.broadcast %slice3A_147 : vector<1x1024xf32> to vector<1024x1024xf32>
        %max3A_158 = arith.maximumf %max3A_156, %max3A_157 : vector<1024x1024xf32>
        %min3A_159 = vector.broadcast %dot_general3A_74 : vector<1024x1xf32> to vector<1024x1024xf32>
        %min3A_160 = vector.broadcast %slice3A_148 : vector<1x1024xf32> to vector<1024x1024xf32>
        %min3A_161 = arith.minimumf %min3A_159, %min3A_160 : vector<1024x1024xf32>
        %min3A_162 = vector.broadcast %dot_general3A_76 : vector<1024x1xf32> to vector<1024x1024xf32>
        %min3A_163 = vector.broadcast %slice3A_149 : vector<1x1024xf32> to vector<1024x1024xf32>
        %min3A_164 = arith.minimumf %min3A_162, %min3A_163 : vector<1024x1024xf32>
        %sub3A_165 = arith.subf %min3A_161, %max3A_155 : vector<1024x1024xf32>
        %max3A_166 = arith.constant 0.000000e+00 : f32
        %max3A_167 = vector.broadcast %max3A_166 : f32 to vector<1024x1024xf32>
        %max3A_168 = arith.maximumf %sub3A_165, %max3A_167 : vector<1024x1024xf32>
        %sub3A_169 = arith.subf %min3A_164, %max3A_158 : vector<1024x1024xf32>
        %mul3A_170 = arith.mulf %max3A_168, %sub3A_169 : vector<1024x1024xf32>
        %add3A_171 = vector.broadcast %mul3A : vector<1024x1xf32> to vector<1024x1024xf32>
        %add3A_172 = vector.broadcast %mul3A_152 : vector<1x1024xf32> to vector<1024x1024xf32>
        %add3A_173 = arith.addf %add3A_171, %add3A_172 : vector<1024x1024xf32>
        %sub3A_174 = arith.subf %add3A_173, %mul3A_170 : vector<1024x1024xf32>
        %max3A_175 = arith.constant 9.99999993E-9 : f32
        %max3A_176 = vector.broadcast %max3A_175 : f32 to vector<1024x1024xf32>
        %max3A_177 = arith.maximumf %sub3A_174, %max3A_176 : vector<1024x1024xf32>
        %div3A_178 = arith.divf %mul3A_170, %max3A_177 : vector<1024x1024xf32>
        %gt3A_179 = arith.constant 5.000000e-01 : f32
        %gt3A_180 = vector.broadcast %gt3A_179 : f32 to vector<1024x1024xf32>
        %gt3A_181 = arith.cmpf ogt, %div3A_178, %gt3A_180 : vector<1024x1024xf32>
        %convert_element_type3A_182 = arith.extui %gt3A_181 : vector<1024x1024xi1> to vector<1024x1024xi32>
        %convert_element_type3A_183 = arith.sitofp %convert_element_type3A_182 : vector<1024x1024xi32> to vector<1024x1024xf32>
        %dot_general3A_184 = arith.constant dense<0.000000e+00> : vector<1x1024xf32>
        %dot_general3A_185 = tpu.matmul %while3A_118#0, %convert_element_type3A_183, %dot_general3A_184 {dimension_numbers = #tpu.dot_dimension_numbers<[1], [0], [0], [1], [0, 0, 1, 1], [], []>, transpose_lhs_hint = false} : vector<1x1024xf32>, vector<1024x1024xf32>, vector<1x1024xf32> -> vector<1x1024xf32>
        %get3A_186 = arith.index_cast %while3A_139 : i32 to index
        %get3A_187 = arith.constant 0 : index
        %get3A_188 = arith.constant 0 : index
        %get3A_189 = vector.load %arg2[%get3A_186, %get3A_187, %get3A_188] : memref<20x1x1024xf32, #tpu.memory_space<vmem>>, vector<1x1x1024xf32>
        %get3A_190 = vector.shape_cast %get3A_189 : vector<1x1x1024xf32> to vector<1x1024xf32>
        %gt3A_191 = arith.constant 5.000000e-01 : f32
        %gt3A_192 = vector.broadcast %gt3A_191 : f32 to vector<1x1024xf32>
        %gt3A_193 = arith.cmpf ogt, %dot_general3A_185, %gt3A_192 : vector<1x1024xf32>
        %jit3A_194 = arith.constant 1.000000e+00 : f32
        %jit3A_195 = arith.constant 0.000000e+00 : f32
        %broadcast_in_dim3A_196 = vector.broadcast %jit3A_194 : f32 to vector<1x1024xf32>
        %broadcast_in_dim3A_197 = vector.broadcast %jit3A_195 : f32 to vector<1x1024xf32>
        %select_n3A_198 = arith.select %gt3A_193, %broadcast_in_dim3A_196, %broadcast_in_dim3A_197 : vector<1x1024xi1>, vector<1x1024xf32>
        %max3A_199 = arith.maximumf %get3A_190, %select_n3A_198 : vector<1x1024xf32>
        %swap3A_200 = arith.index_cast %while3A_139 : i32 to index
        %swap3A_201 = arith.constant 0 : index
        %swap3A_202 = arith.constant 0 : index
        %swap3A_203 = vector.load %arg2[%swap3A_200, %swap3A_201, %swap3A_202] : memref<20x1x1024xf32, #tpu.memory_space<vmem>>, vector<1x1x1024xf32>
        %swap3A_204 = vector.shape_cast %swap3A_203 : vector<1x1x1024xf32> to vector<1x1024xf32>
        %swap3A_205 = vector.shape_cast %max3A_199 : vector<1x1024xf32> to vector<1x1x1024xf32>
        tpu.vector_store %arg2[%swap3A_200, %swap3A_201, %swap3A_202], %swap3A_205 {strides = array<i32>} : memref<20x1x1024xf32, #tpu.memory_space<vmem>>, vector<1x1x1024xf32>,
        %while3A_206 = arith.constant 0 : i32
        scf.yield %while3A_206 : i32
      }
      %while3A_138 = arith.constant 0 : i32
      scf.yield %while3A_138 : i32
    }
    %while3A_57 = arith.constant 1 : i32
    %while3A_58 = scf.for %while3A_59 = %while3A_54 to %while3A_50 step %while3A_57 iter_args(%while3A_60 = %while3A_56) -> (i32)  : i32 {
      %get3A_61 = arith.index_cast %while3A_59 : i32 to index
      %get3A_62 = arith.constant 0 : index
      %get3A_63 = arith.constant 0 : index
      %get3A_64 = vector.load %arg0[%get3A_61, %get3A_62, %get3A_63] : memref<20x8x1024xf32, #tpu.memory_space<vmem>>, vector<1x8x1024xf32>
      %get3A_65 = vector.shape_cast %get3A_64 : vector<1x8x1024xf32> to vector<8x1024xf32>
      %slice3A = vector.extract_strided_slice %get3A_65 {offsets = [0, 0], sizes = [1, 1024], strides = [1, 1]} : vector<8x1024xf32> to vector<1x1024xf32>
      %slice3A_66 = vector.extract_strided_slice %get3A_65 {offsets = [1, 0], sizes = [1, 1024], strides = [1, 1]} : vector<8x1024xf32> to vector<1x1024xf32>
      %slice3A_67 = vector.extract_strided_slice %get3A_65 {offsets = [2, 0], sizes = [1, 1024], strides = [1, 1]} : vector<8x1024xf32> to vector<1x1024xf32>
      %slice3A_68 = vector.extract_strided_slice %get3A_65 {offsets = [3, 0], sizes = [1, 1024], strides = [1, 1]} : vector<8x1024xf32> to vector<1x1024xf32>
      %slice3A_69 = vector.extract_strided_slice %get3A_65 {offsets = [4, 0], sizes = [1, 1024], strides = [1, 1]} : vector<8x1024xf32> to vector<1x1024xf32>
      %dot_general3A = arith.constant dense<0.000000e+00> : vector<1024x1xf32>
      %dot_general3A_70 = tpu.matmul %select_n3A_7, %slice3A, %dot_general3A {dimension_numbers = #tpu.dot_dimension_numbers<[1], [1], [0], [0], [0, 0, 1, 0], [], []>, transpose_lhs_hint = false} : vector<1024x1024xf32>, vector<1x1024xf32>, vector<1024x1xf32> -> vector<1024x1xf32>
      %dot_general3A_71 = arith.constant dense<0.000000e+00> : vector<1024x1xf32>
      %dot_general3A_72 = tpu.matmul %select_n3A_7, %slice3A_66, %dot_general3A_71 {dimension_numbers = #tpu.dot_dimension_numbers<[1], [1], [0], [0], [0, 0, 1, 0], [], []>, transpose_lhs_hint = false} : vector<1024x1024xf32>, vector<1x1024xf32>, vector<1024x1xf32> -> vector<1024x1xf32>
      %dot_general3A_73 = arith.constant dense<0.000000e+00> : vector<1024x1xf32>
      %dot_general3A_74 = tpu.matmul %select_n3A_7, %slice3A_67, %dot_general3A_73 {dimension_numbers = #tpu.dot_dimension_numbers<[1], [1], [0], [0], [0, 0, 1, 0], [], []>, transpose_lhs_hint = false} : vector<1024x1024xf32>, vector<1x1024xf32>, vector<1024x1xf32> -> vector<1024x1xf32>
      %dot_general3A_75 = arith.constant dense<0.000000e+00> : vector<1024x1xf32>
      %dot_general3A_76 = tpu.matmul %select_n3A_7, %slice3A_68, %dot_general3A_75 {dimension_numbers = #tpu.dot_dimension_numbers<[1], [1], [0], [0], [0, 0, 1, 0], [], []>, transpose_lhs_hint = false} : vector<1024x1024xf32>, vector<1x1024xf32>, vector<1024x1xf32> -> vector<1024x1xf32>
      %sub3A_77 = arith.subf %dot_general3A_74, %dot_general3A_70 : vector<1024x1xf32>
      %sub3A_78 = arith.subf %dot_general3A_76, %dot_general3A_72 : vector<1024x1xf32>
      %mul3A = arith.mulf %sub3A_77, %sub3A_78 : vector<1024x1xf32>
      %sub3A_79 = arith.subf %slice3A_67, %slice3A : vector<1x1024xf32>
      %sub3A_80 = arith.subf %slice3A_68, %slice3A_66 : vector<1x1024xf32>
      %mul3A_81 = arith.mulf %sub3A_79, %sub3A_80 : vector<1x1024xf32>
      %max3A = vector.broadcast %dot_general3A_70 : vector<1024x1xf32> to vector<1024x1024xf32>
      %max3A_82 = vector.broadcast %slice3A : vector<1x1024xf32> to vector<1024x1024xf32>
      %max3A_83 = arith.maximumf %max3A, %max3A_82 : vector<1024x1024xf32>
      %max3A_84 = vector.broadcast %dot_general3A_72 : vector<1024x1xf32> to vector<1024x1024xf32>
      %max3A_85 = vector.broadcast %slice3A_66 : vector<1x1024xf32> to vector<1024x1024xf32>
      %max3A_86 = arith.maximumf %max3A_84, %max3A_85 : vector<1024x1024xf32>
      %min3A = vector.broadcast %dot_general3A_74 : vector<1024x1xf32> to vector<1024x1024xf32>
      %min3A_87 = vector.broadcast %slice3A_67 : vector<1x1024xf32> to vector<1024x1024xf32>
      %min3A_88 = arith.minimumf %min3A, %min3A_87 : vector<1024x1024xf32>
      %min3A_89 = vector.broadcast %dot_general3A_76 : vector<1024x1xf32> to vector<1024x1024xf32>
      %min3A_90 = vector.broadcast %slice3A_68 : vector<1x1024xf32> to vector<1024x1024xf32>
      %min3A_91 = arith.minimumf %min3A_89, %min3A_90 : vector<1024x1024xf32>
      %sub3A_92 = arith.subf %min3A_88, %max3A_83 : vector<1024x1024xf32>
      %max3A_93 = arith.constant 0.000000e+00 : f32
      %max3A_94 = vector.broadcast %max3A_93 : f32 to vector<1024x1024xf32>
      %max3A_95 = arith.maximumf %sub3A_92, %max3A_94 : vector<1024x1024xf32>
      %sub3A_96 = arith.subf %min3A_91, %max3A_86 : vector<1024x1024xf32>
      %mul3A_97 = arith.mulf %max3A_95, %sub3A_96 : vector<1024x1024xf32>
      %add3A_98 = vector.broadcast %mul3A : vector<1024x1xf32> to vector<1024x1024xf32>
      %add3A_99 = vector.broadcast %mul3A_81 : vector<1x1024xf32> to vector<1024x1024xf32>
      %add3A_100 = arith.addf %add3A_98, %add3A_99 : vector<1024x1024xf32>
      %sub3A_101 = arith.subf %add3A_100, %mul3A_97 : vector<1024x1024xf32>
      %max3A_102 = arith.constant 9.99999993E-9 : f32
      %max3A_103 = vector.broadcast %max3A_102 : f32 to vector<1024x1024xf32>
      %max3A_104 = arith.maximumf %sub3A_101, %max3A_103 : vector<1024x1024xf32>
      %div3A_105 = arith.divf %mul3A_97, %max3A_104 : vector<1024x1024xf32>
      %gt3A = arith.cmpf ogt, %div3A_105, %select_n3A : vector<1024x1024xf32>
      %convert_element_type3A_106 = arith.extui %gt3A : vector<1024x1024xi1> to vector<1024x1024xi32>
      %convert_element_type3A_107 = arith.sitofp %convert_element_type3A_106 : vector<1024x1024xi32> to vector<1024x1024xf32>
      %get3A_108 = arith.index_cast %while3A_59 : i32 to index
      %get3A_109 = arith.constant 0 : index
      %get3A_110 = arith.constant 0 : index
      %get3A_111 = vector.load %arg2[%get3A_108, %get3A_109, %get3A_110] : memref<20x1x1024xf32, #tpu.memory_space<vmem>>, vector<1x1x1024xf32>
      %get3A_112 = vector.shape_cast %get3A_111 : vector<1x1x1024xf32> to vector<1x1024xf32>
      %sub3A_113 = arith.constant 1.000000e+00 : f32
      %sub3A_114 = vector.broadcast %sub3A_113 : f32 to vector<1x1024xf32>
      %sub3A_115 = arith.subf %sub3A_114, %get3A_112 : vector<1x1024xf32>
      %mul3A_116 = arith.mulf %slice3A_69, %sub3A_115 : vector<1x1024xf32>
      %while3A_117 = arith.constant true
      %while3A_118:2 = scf.while (%while3A_139 = %mul3A_116, %while3A_140 = %while3A_117) : (vector<1x1024xf32>, i1) -> (vector<1x1024xf32>, i1) {
        scf.condition(%while3A_140) %while3A_139, %while3A_140 : vector<1x1024xf32>, i1
      } do {
      ^bb0(%while3A_139: vector<1x1024xf32>, %while3A_140: i1):
        %dot_general3A_141 = arith.constant dense<0.000000e+00> : vector<1x1024xf32>
        %dot_general3A_142 = tpu.matmul %while3A_139, %convert_element_type3A_107, %dot_general3A_141 {dimension_numbers = #tpu.dot_dimension_numbers<[1], [0], [0], [1], [0, 0, 1, 1], [], []>, transpose_lhs_hint = false} : vector<1x1024xf32>, vector<1024x1024xf32>, vector<1x1024xf32> -> vector<1x1024xf32>
        %gt3A_143 = arith.constant 5.000000e-01 : f32
        %gt3A_144 = vector.broadcast %gt3A_143 : f32 to vector<1x1024xf32>
        %gt3A_145 = arith.cmpf ogt, %dot_general3A_142, %gt3A_144 : vector<1x1024xf32>
        %jit3A_146 = arith.constant 0.000000e+00 : f32
        %jit3A_147 = arith.constant 1.000000e+00 : f32
        %broadcast_in_dim3A_148 = vector.broadcast %jit3A_146 : f32 to vector<1x1024xf32>
        %broadcast_in_dim3A_149 = vector.broadcast %jit3A_147 : f32 to vector<1x1024xf32>
        %select_n3A_150 = arith.select %gt3A_145, %broadcast_in_dim3A_148, %broadcast_in_dim3A_149 : vector<1x1024xi1>, vector<1x1024xf32>
        %mul3A_151 = arith.mulf %mul3A_116, %select_n3A_150 : vector<1x1024xf32>
        %ne3A_152 = arith.cmpf one, %mul3A_151, %while3A_139 : vector<1x1024xf32>
        %reduce_or3A = arith.constant 1.000000e+00 : f32
        %reduce_or3A_153 = arith.constant 0.000000e+00 : f32
        %reduce_or3A_154 = vector.broadcast %reduce_or3A : f32 to vector<1x1024xf32>
        %reduce_or3A_155 = vector.broadcast %reduce_or3A_153 : f32 to vector<1x1024xf32>
        %reduce_or3A_156 = arith.select %ne3A_152, %reduce_or3A_154, %reduce_or3A_155 : vector<1x1024xi1>, vector<1x1024xf32>
        %reduce_or3A_157 = vector.shape_cast %reduce_or3A_156 : vector<1x1024xf32> to vector<1x1x1024xf32>
        %reduce_or3A_158 = arith.constant dense<0xFF800000> : vector<1xf32>
        %reduce_or3A_159 = vector.multi_reduction <maximumf>, %reduce_or3A_157, %reduce_or3A_158 [1, 2] : vector<1x1x1024xf32> to vector<1xf32>
        %reduce_or3A_160 = vector.shape_cast %reduce_or3A_159 : vector<1xf32> to vector<1x1x1xf32>
        %reduce_or3A_161 = vector.extract %reduce_or3A_160[0, 0, 0] : f32 from vector<1x1x1xf32>
        %reduce_or3A_162 = arith.constant 0.000000e+00 : f32
        %reduce_or3A_163 = arith.cmpf ogt, %reduce_or3A_161, %reduce_or3A_162 : f32
        scf.yield %mul3A_151, %reduce_or3A_163 : vector<1x1024xf32>, i1
      }
      %swap3A_119 = arith.index_cast %while3A_59 : i32 to index
      %swap3A_120 = arith.constant 0 : index
      %swap3A_121 = arith.constant 0 : index
      %swap3A_122 = vector.load %arg1[%swap3A_119, %swap3A_120, %swap3A_121] : memref<20x1x1024xf32, #tpu.memory_space<vmem>>, vector<1x1x1024xf32>
      %swap3A_123 = vector.shape_cast %swap3A_122 : vector<1x1x1024xf32> to vector<1x1024xf32>
      %swap3A_124 = vector.shape_cast %while3A_118#0 : vector<1x1024xf32> to vector<1x1x1024xf32>
      tpu.vector_store %arg1[%swap3A_119, %swap3A_120, %swap3A_121], %swap3A_124 {strides = array<i32>} : memref<20x1x1024xf32, #tpu.memory_space<vmem>>, vector<1x1x1024xf32>,
      %add3A_125 = arith.constant 1 : i32
      %add3A_126 = arith.addi %while3A_59, %add3A_125 : i32
      %while3A_127 = arith.constant 0 : i32
      %while3A_128 = arith.subi %select_n3A_47, %add3A_126 : i32
      %while3A_129 = arith.addi %add3A_126, %while3A_128 : i32
      %while3A_130 = arith.constant 1 : i32
      %while3A_131 = arith.divsi %while3A_128, %while3A_130 : i32
      %while3A_132 = arith.muli %while3A_131, %while3A_130 : i32
      %while3A_133 = arith.addi %add3A_126, %while3A_132 : i32
      %while3A_134 = arith.constant 1 : i32
      %while3A_135 = scf.for %while3A_139 = %add3A_126 to %while3A_133 step %while3A_134 iter_args(%while3A_140 = %while3A_127) -> (i32)  : i32 {
        %get3A_141 = arith.index_cast %while3A_139 : i32 to index
        %get3A_142 = arith.constant 0 : index
        %get3A_143 = arith.constant 0 : index
        %get3A_144 = vector.load %arg0[%get3A_141, %get3A_142, %get3A_143] : memref<20x8x1024xf32, #tpu.memory_space<vmem>>, vector<1x8x1024xf32>
        %get3A_145 = vector.shape_cast %get3A_144 : vector<1x8x1024xf32> to vector<8x1024xf32>
        %slice3A_146 = vector.extract_strided_slice %get3A_145 {offsets = [0, 0], sizes = [1, 1024], strides = [1, 1]} : vector<8x1024xf32> to vector<1x1024xf32>
        %slice3A_147 = vector.extract_strided_slice %get3A_145 {offsets = [1, 0], sizes = [1, 1024], strides = [1, 1]} : vector<8x1024xf32> to vector<1x1024xf32>
        %slice3A_148 = vector.extract_strided_slice %get3A_145 {offsets = [2, 0], sizes = [1, 1024], strides = [1, 1]} : vector<8x1024xf32> to vector<1x1024xf32>
        %slice3A_149 = vector.extract_strided_slice %get3A_145 {offsets = [3, 0], sizes = [1, 1024], strides = [1, 1]} : vector<8x1024xf32> to vector<1x1024xf32>
        %sub3A_150 = arith.subf %slice3A_148, %slice3A_146 : vector<1x1024xf32>
        %sub3A_151 = arith.subf %slice3A_149, %slice3A_147 : vector<1x1024xf32>
        %mul3A_152 = arith.mulf %sub3A_150, %sub3A_151 : vector<1x1024xf32>
        %max3A_153 = vector.broadcast %dot_general3A_70 : vector<1024x1xf32> to vector<1024x1024xf32>
        %max3A_154 = vector.broadcast %slice3A_146 : vector<1x1024xf32> to vector<1024x1024xf32>
        %max3A_155 = arith.maximumf %max3A_153, %max3A_154 : vector<1024x1024xf32>
        %max3A_156 = vector.broadcast %dot_general3A_72 : vector<1024x1xf32> to vector<1024x1024xf32>
        %max3A_157 = vector.broadcast %slice3A_147 : vector<1x1024xf32> to vector<1024x1024xf32>
        %max3A_158 = arith.maximumf %max3A_156, %max3A_157 : vector<1024x1024xf32>
        %min3A_159 = vector.broadcast %dot_general3A_74 : vector<1024x1xf32> to vector<1024x1024xf32>
        %min3A_160 = vector.broadcast %slice3A_148 : vector<1x1024xf32> to vector<1024x1024xf32>
        %min3A_161 = arith.minimumf %min3A_159, %min3A_160 : vector<1024x1024xf32>
        %min3A_162 = vector.broadcast %dot_general3A_76 : vector<1024x1xf32> to vector<1024x1024xf32>
        %min3A_163 = vector.broadcast %slice3A_149 : vector<1x1024xf32> to vector<1024x1024xf32>
        %min3A_164 = arith.minimumf %min3A_162, %min3A_163 : vector<1024x1024xf32>
        %sub3A_165 = arith.subf %min3A_161, %max3A_155 : vector<1024x1024xf32>
        %max3A_166 = arith.constant 0.000000e+00 : f32
        %max3A_167 = vector.broadcast %max3A_166 : f32 to vector<1024x1024xf32>
        %max3A_168 = arith.maximumf %sub3A_165, %max3A_167 : vector<1024x1024xf32>
        %sub3A_169 = arith.subf %min3A_164, %max3A_158 : vector<1024x1024xf32>
        %mul3A_170 = arith.mulf %max3A_168, %sub3A_169 : vector<1024x1024xf32>
        %add3A_171 = vector.broadcast %mul3A : vector<1024x1xf32> to vector<1024x1024xf32>
        %add3A_172 = vector.broadcast %mul3A_152 : vector<1x1024xf32> to vector<1024x1024xf32>
        %add3A_173 = arith.addf %add3A_171, %add3A_172 : vector<1024x1024xf32>
        %sub3A_174 = arith.subf %add3A_173, %mul3A_170 : vector<1024x1024xf32>
        %max3A_175 = arith.constant 9.99999993E-9 : f32
        %max3A_176 = vector.broadcast %max3A_175 : f32 to vector<1024x1024xf32>
        %max3A_177 = arith.maximumf %sub3A_174, %max3A_176 : vector<1024x1024xf32>
        %div3A_178 = arith.divf %mul3A_170, %max3A_177 : vector<1024x1024xf32>
        %gt3A_179 = arith.constant 5.000000e-01 : f32
        %gt3A_180 = vector.broadcast %gt3A_179 : f32 to vector<1024x1024xf32>
        %gt3A_181 = arith.cmpf ogt, %div3A_178, %gt3A_180 : vector<1024x1024xf32>
        %convert_element_type3A_182 = arith.extui %gt3A_181 : vector<1024x1024xi1> to vector<1024x1024xi32>
        %convert_element_type3A_183 = arith.sitofp %convert_element_type3A_182 : vector<1024x1024xi32> to vector<1024x1024xf32>
        %dot_general3A_184 = arith.constant dense<0.000000e+00> : vector<1x1024xf32>
        %dot_general3A_185 = tpu.matmul %while3A_118#0, %convert_element_type3A_183, %dot_general3A_184 {dimension_numbers = #tpu.dot_dimension_numbers<[1], [0], [0], [1], [0, 0, 1, 1], [], []>, transpose_lhs_hint = false} : vector<1x1024xf32>, vector<1024x1024xf32>, vector<1x1024xf32> -> vector<1x1024xf32>
        %get3A_186 = arith.index_cast %while3A_139 : i32 to index
        %get3A_187 = arith.constant 0 : index
        %get3A_188 = arith.constant 0 : index
        %get3A_189 = vector.load %arg2[%get3A_186, %get3A_187, %get3A_188] : memref<20x1x1024xf32, #tpu.memory_space<vmem>>, vector<1x1x1024xf32>
        %get3A_190 = vector.shape_cast %get3A_189 : vector<1x1x1024xf32> to vector<1x1024xf32>
        %gt3A_191 = arith.constant 5.000000e-01 : f32
        %gt3A_192 = vector.broadcast %gt3A_191 : f32 to vector<1x1024xf32>
        %gt3A_193 = arith.cmpf ogt, %dot_general3A_185, %gt3A_192 : vector<1x1024xf32>
        %jit3A_194 = arith.constant 1.000000e+00 : f32
        %jit3A_195 = arith.constant 0.000000e+00 : f32
        %broadcast_in_dim3A_196 = vector.broadcast %jit3A_194 : f32 to vector<1x1024xf32>
        %broadcast_in_dim3A_197 = vector.broadcast %jit3A_195 : f32 to vector<1x1024xf32>
        %select_n3A_198 = arith.select %gt3A_193, %broadcast_in_dim3A_196, %broadcast_in_dim3A_197 : vector<1x1024xi1>, vector<1x1024xf32>
        %max3A_199 = arith.maximumf %get3A_190, %select_n3A_198 : vector<1x1024xf32>
        %swap3A_200 = arith.index_cast %while3A_139 : i32 to index
        %swap3A_201 = arith.constant 0 : index
        %swap3A_202 = arith.constant 0 : index
        %swap3A_203 = vector.load %arg2[%swap3A_200, %swap3A_201, %swap3A_202] : memref<20x1x1024xf32, #tpu.memory_space<vmem>>, vector<1x1x1024xf32>
        %swap3A_204 = vector.shape_cast %swap3A_203 : vector<1x1x1024xf32> to vector<1x1024xf32>
        %swap3A_205 = vector.shape_cast %max3A_199 : vector<1x1024xf32> to vector<1x1x1024xf32>
        tpu.vector_store %arg2[%swap3A_200, %swap3A_201, %swap3A_202], %swap3A_205 {strides = array<i32>} : memref<20x1x1024xf32, #tpu.memory_space<vmem>>, vector<1x1x1024xf32>,
        %while3A_206 = arith.constant 0 : i32
        scf.yield %while3A_206 : i32
      }
      %while3A_136 = arith.constant 1 : i32
      %while3A_137 = scf.for %while3A_139 = %while3A_133 to %while3A_129 step %while3A_136 iter_args(%while3A_140 = %while3A_135) -> (i32)  : i32 {
        %get3A_141 = arith.index_cast %while3A_139 : i32 to index
        %get3A_142 = arith.constant 0 : index
        %get3A_143 = arith.constant 0 : index
        %get3A_144 = vector.load %arg0[%get3A_141, %get3A_142, %get3A_143] : memref<20x8x1024xf32, #tpu.memory_space<vmem>>, vector<1x8x1024xf32>
        %get3A_145 = vector.shape_cast %get3A_144 : vector<1x8x1024xf32> to vector<8x1024xf32>
        %slice3A_146 = vector.extract_strided_slice %get3A_145 {offsets = [0, 0], sizes = [1, 1024], strides = [1, 1]} : vector<8x1024xf32> to vector<1x1024xf32>
        %slice3A_147 = vector.extract_strided_slice %get3A_145 {offsets = [1, 0], sizes = [1, 1024], strides = [1, 1]} : vector<8x1024xf32> to vector<1x1024xf32>
        %slice3A_148 = vector.extract_strided_slice %get3A_145 {offsets = [2, 0], sizes = [1, 1024], strides = [1, 1]} : vector<8x1024xf32> to vector<1x1024xf32>
        %slice3A_149 = vector.extract_strided_slice %get3A_145 {offsets = [3, 0], sizes = [1, 1024], strides = [1, 1]} : vector<8x1024xf32> to vector<1x1024xf32>
        %sub3A_150 = arith.subf %slice3A_148, %slice3A_146 : vector<1x1024xf32>
        %sub3A_151 = arith.subf %slice3A_149, %slice3A_147 : vector<1x1024xf32>
        %mul3A_152 = arith.mulf %sub3A_150, %sub3A_151 : vector<1x1024xf32>
        %max3A_153 = vector.broadcast %dot_general3A_70 : vector<1024x1xf32> to vector<1024x1024xf32>
        %max3A_154 = vector.broadcast %slice3A_146 : vector<1x1024xf32> to vector<1024x1024xf32>
        %max3A_155 = arith.maximumf %max3A_153, %max3A_154 : vector<1024x1024xf32>
        %max3A_156 = vector.broadcast %dot_general3A_72 : vector<1024x1xf32> to vector<1024x1024xf32>
        %max3A_157 = vector.broadcast %slice3A_147 : vector<1x1024xf32> to vector<1024x1024xf32>
        %max3A_158 = arith.maximumf %max3A_156, %max3A_157 : vector<1024x1024xf32>
        %min3A_159 = vector.broadcast %dot_general3A_74 : vector<1024x1xf32> to vector<1024x1024xf32>
        %min3A_160 = vector.broadcast %slice3A_148 : vector<1x1024xf32> to vector<1024x1024xf32>
        %min3A_161 = arith.minimumf %min3A_159, %min3A_160 : vector<1024x1024xf32>
        %min3A_162 = vector.broadcast %dot_general3A_76 : vector<1024x1xf32> to vector<1024x1024xf32>
        %min3A_163 = vector.broadcast %slice3A_149 : vector<1x1024xf32> to vector<1024x1024xf32>
        %min3A_164 = arith.minimumf %min3A_162, %min3A_163 : vector<1024x1024xf32>
        %sub3A_165 = arith.subf %min3A_161, %max3A_155 : vector<1024x1024xf32>
        %max3A_166 = arith.constant 0.000000e+00 : f32
        %max3A_167 = vector.broadcast %max3A_166 : f32 to vector<1024x1024xf32>
        %max3A_168 = arith.maximumf %sub3A_165, %max3A_167 : vector<1024x1024xf32>
        %sub3A_169 = arith.subf %min3A_164, %max3A_158 : vector<1024x1024xf32>
        %mul3A_170 = arith.mulf %max3A_168, %sub3A_169 : vector<1024x1024xf32>
        %add3A_171 = vector.broadcast %mul3A : vector<1024x1xf32> to vector<1024x1024xf32>
        %add3A_172 = vector.broadcast %mul3A_152 : vector<1x1024xf32> to vector<1024x1024xf32>
        %add3A_173 = arith.addf %add3A_171, %add3A_172 : vector<1024x1024xf32>
        %sub3A_174 = arith.subf %add3A_173, %mul3A_170 : vector<1024x1024xf32>
        %max3A_175 = arith.constant 9.99999993E-9 : f32
        %max3A_176 = vector.broadcast %max3A_175 : f32 to vector<1024x1024xf32>
        %max3A_177 = arith.maximumf %sub3A_174, %max3A_176 : vector<1024x1024xf32>
        %div3A_178 = arith.divf %mul3A_170, %max3A_177 : vector<1024x1024xf32>
        %gt3A_179 = arith.constant 5.000000e-01 : f32
        %gt3A_180 = vector.broadcast %gt3A_179 : f32 to vector<1024x1024xf32>
        %gt3A_181 = arith.cmpf ogt, %div3A_178, %gt3A_180 : vector<1024x1024xf32>
        %convert_element_type3A_182 = arith.extui %gt3A_181 : vector<1024x1024xi1> to vector<1024x1024xi32>
        %convert_element_type3A_183 = arith.sitofp %convert_element_type3A_182 : vector<1024x1024xi32> to vector<1024x1024xf32>
        %dot_general3A_184 = arith.constant dense<0.000000e+00> : vector<1x1024xf32>
        %dot_general3A_185 = tpu.matmul %while3A_118#0, %convert_element_type3A_183, %dot_general3A_184 {dimension_numbers = #tpu.dot_dimension_numbers<[1], [0], [0], [1], [0, 0, 1, 1], [], []>, transpose_lhs_hint = false} : vector<1x1024xf32>, vector<1024x1024xf32>, vector<1x1024xf32> -> vector<1x1024xf32>
        %get3A_186 = arith.index_cast %while3A_139 : i32 to index
        %get3A_187 = arith.constant 0 : index
        %get3A_188 = arith.constant 0 : index
        %get3A_189 = vector.load %arg2[%get3A_186, %get3A_187, %get3A_188] : memref<20x1x1024xf32, #tpu.memory_space<vmem>>, vector<1x1x1024xf32>
        %get3A_190 = vector.shape_cast %get3A_189 : vector<1x1x1024xf32> to vector<1x1024xf32>
        %gt3A_191 = arith.constant 5.000000e-01 : f32
        %gt3A_192 = vector.broadcast %gt3A_191 : f32 to vector<1x1024xf32>
        %gt3A_193 = arith.cmpf ogt, %dot_general3A_185, %gt3A_192 : vector<1x1024xf32>
        %jit3A_194 = arith.constant 1.000000e+00 : f32
        %jit3A_195 = arith.constant 0.000000e+00 : f32
        %broadcast_in_dim3A_196 = vector.broadcast %jit3A_194 : f32 to vector<1x1024xf32>
        %broadcast_in_dim3A_197 = vector.broadcast %jit3A_195 : f32 to vector<1x1024xf32>
        %select_n3A_198 = arith.select %gt3A_193, %broadcast_in_dim3A_196, %broadcast_in_dim3A_197 : vector<1x1024xi1>, vector<1x1024xf32>
        %max3A_199 = arith.maximumf %get3A_190, %select_n3A_198 : vector<1x1024xf32>
        %swap3A_200 = arith.index_cast %while3A_139 : i32 to index
        %swap3A_201 = arith.constant 0 : index
        %swap3A_202 = arith.constant 0 : index
        %swap3A_203 = vector.load %arg2[%swap3A_200, %swap3A_201, %swap3A_202] : memref<20x1x1024xf32, #tpu.memory_space<vmem>>, vector<1x1x1024xf32>
        %swap3A_204 = vector.shape_cast %swap3A_203 : vector<1x1x1024xf32> to vector<1x1024xf32>
        %swap3A_205 = vector.shape_cast %max3A_199 : vector<1x1024xf32> to vector<1x1x1024xf32>
        tpu.vector_store %arg2[%swap3A_200, %swap3A_201, %swap3A_202], %swap3A_205 {strides = array<i32>} : memref<20x1x1024xf32, #tpu.memory_space<vmem>>, vector<1x1x1024xf32>,
        %while3A_206 = arith.constant 0 : i32
        scf.yield %while3A_206 : i32
      }
      %while3A_138 = arith.constant 0 : i32
      scf.yield %while3A_138 : i32
    }
    return
  }
}

</mosaic_0001>

<sc_bundles>
// kernel: gather_offload_async_start
scs
__scs_entry_jumppad:
0x0: {  	(pc) =	sbr.rel $0x88, $3  }
0x1: {  	(tag) =	ssettag $0x0;
	lr =	simm.s32 $0x1  }
0x2: {  	[smem:$0x3F9F] =	sst lr;
	_ =	strace $0xD0000000  }
0x3: {  	_ = 	snop  }
0x4: {  	_ = 	snop  }
0x5: {  	_ = 	snop  }
0x6: {  	_ = 	snop  }
0x7: {  	_ = 	snop  }
__scs_overlays_trampoline_lowered:
0x8: {  	[smem:$0x3FAE] =	sst s0  }
0x9: {  	[smem:$0x3FAF] =	sst s1  }
0xa: {  	[smem:$0x3FB0] =	sst s2  }
0xb: {  	[smem:$0x3FB1] =	sst s3  }
0xc: {  	[smem:$0x3FB2] =	sst s4  }
0xd: {  	[smem:$0x3FB3] =	sst s5  }
0xe: {  	[smem:$0x3FB4] =	sst s6  }
0xf: {  	[smem:$0x3FB5] =	sst s7  }
0x10: {  	[smem:$0x3FB6] =	sst s8  }
0x11: {  	[smem:$0x3FB7] =	sst s9;
	s0 =	simm.s32 @!p0 $0x0  }
0x12: {  	s1 =	sld [smem:$0x3F9D];
	s0 =	simm.s32 @p0 $0x1  }
0x13: {  	[smem:$0x3FB8] =	sst s0;
	s0 =	simm.s32 @!p1 $0x0  }
0x14: {  	s2 =	sld [smem:$0x3F9C];
	s0 =	simm.s32 @p1 $0x1  }
0x15: {  	[smem:$0x3FB9] =	sst s0;
	s0 =	simm.s32 @!p2 $0x0  }
0x16: {  	s3 =	sld [smem:$0x3FDB];
	s0 =	simm.s32 @p2 $0x1  }
0x17: {  	s4 =	simm.s32 $0x1BF5;
	[smem:$0x3FBB] =	sst s0  }
0x18: {  	s0 =	sld [smem:$0x3F9E];
	_ =	swait.ge [sflag:s4], $0x0  }
0x19: {  	s7 =	sld [smem:$0x3F9F]  }
0x1a: {  	s8 =	sadd.s32 $0xFFFFE003, lr  }
0x1b: {  	s9 =	sadd.s32 $0xFFFFFEF7, lr;
	s5 =	simm.s32 $0xFFFFFFFF;
	p2 =	slt.u32 s8, $0xFFFFF086  }
0x1c: {  	p1 =	slt.u32 s9, $0xF7A;
	s5 =	simm.s32 @!p2 $0x0  }
0x1d: {  	s5 =	simm.s32 @p1 $0x1;
	p0 =	seq.s32 s7, s2  }
0x1e: {  	s7 =	smul.u32 @!p0 $0xF7A, s2;
	p2 =	seq.s32 @!p0 s5, $0x0  }
0x1f: {  	s9 =	smul.u32 $0xF7A, s1;
	s8 =	simm.s32 @!p0 $0x1BF5;
	p2 =	por !p2, p0  }
0x20: {  	[sflag:s8] =	ssyncset.s32 @!p0 $0xFFFFF086;
	s6 =	sadd.s32 @!p0 s3, s7;
	s7 =	simm.s32 @!p0 $0x108  }
0x21: {  	s3 =	sadd.s32 s3, s9;
	s6 =	sadd.s32 @!p0 $0x88, s6;
	s7 =	simm.s32 @p2 $0x1082  }
0x22: {  	[simem:s7], [sflag:s8] =	dma.local @!p0 [hbm:s6], $0xF7A  }
0x23: {  	s9 =	sor.u32 $0xD0000000, s2;
	s6 =	simm.s32 $0x108;
	_ =	swait.ge @!p0 [sflag:s8], $0x0  }
0x24: {  	s3 =	sadd.s32 $0x88, s3;
	s6 =	simm.s32 @!p1 $0x1082;
	[sflag:s4] =	ssyncset.s32 $0xFFFFF086  }
0x25: {  	[simem:s6], [sflag:s4] =	dma.local [hbm:s3], $0xF7A  }
0x26: {  	[smem:$0x3F9F] =	sst s1;
	(tag) =	ssettag s2;
	_ =	strace s9  }
0x27: {  	s1 =	sld [smem:$0x3FAF]  }
0x28: {  	s2 =	sld [smem:$0x3FB0]  }
0x29: {  	s4 =	sld [smem:$0x3FB2]  }
0x2a: {  	p0 =	seq.s32 s5, $0x0;
	s5 =	sld [smem:$0x3FB3]  }
0x2b: {  	s6 =	sld [smem:$0x3FB4]  }
0x2c: {  	s7 =	sld [smem:$0x3FB5]  }
0x2d: {  	s3 =	simm.s32 $0x108;
	s8 =	sld [smem:$0x3FB6]  }
0x2e: {  	s3 =	simm.s32 @!p0 $0x1082;
	s9 =	sld [smem:$0x3FB7]  }
0x2f: {  	lr =	sadd.s32 s0, s3;
	s0 =	sld [smem:$0x3FAE]  }
0x30: {  	s3 =	sld [smem:$0x3FB1]  }
0x31: {  	[smem:$0x3FBA] =	sst s10  }
0x32: {  	s10 =	sld [smem:$0x3FB8];
	_ =	sdelay $0x3  }
0x33: {  	p0 =	seq.s32 s10, $0x1;
	s10 =	sld [smem:$0x3FBA];
	_ =	sdelay $0x3  }
0x34: {  	[smem:$0x3FBA] =	sst s10  }
0x35: {  	s10 =	sld [smem:$0x3FB9];
	_ =	sdelay $0x3  }
0x36: {  	p1 =	seq.s32 s10, $0x1;
	s10 =	sld [smem:$0x3FBA];
	_ =	sdelay $0x3  }
0x37: {  	[smem:$0x3FBA] =	sst s10  }
0x38: {  	s10 =	sld [smem:$0x3FBB]  }
0x39: {  	_ = 	snop;
	(pc) =	sbr.ind lr, $3  }
0x3a: {  	_ = 	snop  }
0x3b: {  	_ = 	snop  }
0x3c: {  	p2 =	seq.s32 s10, $0x1;
	s10 =	sld [smem:$0x3FBA]  }
0x3d: {  	_ =	shalt  }
0x3e: {  	_ =	shalt  }
0x3f: {  	_ =	shalt  }
0x40: {  	_ =	shalt  }
0x41: {  	_ =	shalt  }
0x42: {  	_ =	shalt  }
0x43: {  	_ =	shalt  }
0x44: {  	_ =	shalt  }
0x45: {  	_ =	shalt  }
0x46: {  	_ =	shalt  }
0x47: {  	_ =	shalt  }
0x48: {  	_ =	shalt  }
0x49: {  	_ =	shalt  }
0x4a: {  	_ =	shalt  }
0x4b: {  	_ =	shalt  }
0x4c: {  	_ =	shalt  }
0x4d: {  	_ =	shalt  }
0x4e: {  	_ =	shalt  }
0x4f: {  	_ =	shalt  }
0x50: {  	_ =	shalt  }
0x51: {  	_ =	shalt  }
0x52: {  	_ =	shalt  }
0x53: {  	_ =	shalt  }
0x54: {  	_ =	shalt  }
0x55: {  	_ =	shalt  }
0x56: {  	_ =	shalt  }
0x57: {  	_ =	shalt  }
0x58: {  	_ =	shalt  }
0x59: {  	_ =	shalt  }
0x5a: {  	_ =	shalt  }
0x5b: {  	_ =	shalt  }
0x5c: {  	_ =	shalt  }
0x5d: {  	_ =	shalt  }
0x5e: {  	_ =	shalt  }
0x5f: {  	_ =	shalt  }
0x60: {  	_ =	shalt  }
0x61: {  	_ =	shalt  }
0x62: {  	_ =	shalt  }
0x63: {  	_ =	shalt  }
0x64: {  	_ =	shalt  }
0x65: {  	_ =	shalt  }
0x66: {  	_ =	shalt  }
0x67: {  	_ =	shalt  }
0x68: {  	_ =	shalt  }
0x69: {  	_ =	shalt  }
0x6a: {  	_ =	shalt  }
0x6b: {  	_ =	shalt  }
0x6c: {  	_ =	shalt  }
0x6d: {  	_ =	shalt  }
0x6e: {  	_ =	shalt  }
0x6f: {  	_ =	shalt  }
0x70: {  	_ =	shalt  }
0x71: {  	_ =	shalt  }
0x72: {  	_ =	shalt  }
0x73: {  	_ =	shalt  }
0x74: {  	_ =	shalt  }
0x75: {  	_ =	shalt  }
0x76: {  	_ =	shalt  }
0x77: {  	_ =	shalt  }
0x78: {  	_ =	shalt  }
0x79: {  	_ =	shalt  }
0x7a: {  	_ =	shalt  }
0x7b: {  	_ =	shalt  }
0x7c: {  	_ =	shalt  }
0x7d: {  	_ =	shalt  }
0x7e: {  	_ =	shalt  }
0x7f: {  	_ =	shalt  }
0x80: {  	_ =	shalt  }
0x81: {  	_ =	shalt  }
0x82: {  	_ =	shalt  }
0x83: {  	_ =	shalt  }
0x84: {  	_ =	shalt  }
0x85: {  	_ =	shalt  }
0x86: {  	_ =	shalt  }
0x87: {  	_ =	shalt  }
.Lfunc_end0:
.L_simem_size_0:
called_computation_lowered:
.L_overlay_start_0:
0x88: {  	s2 =	sld [smem:$0x3FD9]  }
0x89: {  	s3 =	sld [smem:$0x3FFE];
	_ =	sdelay $0x1  }
0x8a: {  	s1 =	srdreg.scid  }
0x8b: {  	s0 =	sand.u32 $0x1, s1  }
0x8c: {  	s17 =	sshll.u32 s0, $0xA;
	s2 =	sadd.s32 s3, s2  }
0x8d: {  	s2 =	sadd.s32 s2, s17  }
0x8e: {  	[smem:$0x3FC6] =	sst s2  }
0x8f: {  	_ = 	snop  }
0x90: {  	s2 =	sld [smem:$0x3FD0];
	(tm) =	ssettm $0x1  }
0x91: {  	s18 =	sld [smem:$0x3FFB];
	_ =	sdelay $0x3  }
0x92: {  	_ =	strace s18  }
0x93: {  	s3 =	sld [smem:$0x3FFC];
	_ =	sdelay $0x3  }
0x94: {  	_ =	strace s3  }
0x95: {  	s3 =	sld [smem:$0x3FFD];
	_ =	sdelay $0x3  }
0x96: {  	_ =	strace s3  }
0x97: {  	_ =	strace $0x8FFFFFFF  }
0x98: {  	s19 =	sld [smem:$0x3FDB];
	_ =	sdelay $0x1  }
0x99: {  	s4 =	simm.s32 $_scs_section_size  }
0x9a: {  	s5 =	simm.s32 $_size__tile_overlayer_lowered;
	s6 =	simm.s32 $_tile_overlayer_lowered  }
0x9b: {  	s22 =	simm.s32 $0x1BFF;
	s21 =	sshll.u32 s6, $0x1;
	s3 =	sadd.s32 s4, s19  }
0x9c: {  	s7 =	simm.s32 $0x0;
	s20 =	sshll.u32 s5, $0x1;
	s5 =	sadd.s32 s21, s3  }
0x9d: {  	[timem:s7], [sflag:s22] =	dma.local [hbm:s5], s20  }
0x9e: {  	_ =	swait.ge [sflag:s22], s20  }
0x9f: {  	s4 =	ssub.s32 $0x0, s20;
	[sflag:s22] =	ssyncset.done $0x0  }
0xa0: {  	[sflag:s22] =	ssyncadd.s32 s4;
	_ =	sdelay $0x1  }
0xa1: {  	s23 =	simm.s32 $0x1B8B  }
0xa2: {  	_ =	swait.ge [sflag:s23], $0x1  }
0xa3: {  	[sflag:s23] =	ssyncset.done $0x0  }
0xa4: {  	s25 =	simm.s32 $0x1B8E;
	s24 =	sld [smem:$0x3FFE];
	[sflag:s23] =	ssyncadd.s32 $0xFFFFFFFF  }
0xa5: {  	s26 =	simm.s32 $execute0_lowered;
	[smem:$0x3FD2] =	sst s25  }
0xa6: {  	s5 =	sshll.u32 s26, $0x1;
	_ =	strace $0x80000046;
	[dreg:$0x1] =	wrdreg $0xFFFFFFFF  }
0xa7: {  	s28 =	simm.s32 $_size_execute0_lowered;
	s3 =	sadd.s32 s3, s5;
	[dreg:$0x0] =	wrdreg $0x0  }
0xa8: {  	s5 =	sshll.u32 s28, $0x1;
	[dreg:$0x2] =	wrdreg s3  }
0xa9: {  	[dreg:$0x3] =	wrdreg s5  }
0xaa: {  	[dreg:$0x4] =	wrdreg $0xC0  }
0xab: {  	_ =	task [dreg:s7], $0x5FFFF  }
0xac: {  	[dreg:$0x1] =	wrdreg $0xFFFFFFFF  }
0xad: {  	[dreg:$0x0] =	wrdreg $0x60  }
0xae: {  	[dreg:$0x2] =	wrdreg s24  }
0xaf: {  	[dreg:$0x3] =	wrdreg s2  }
0xb0: {  	[dreg:$0x4] =	wrdreg $0x9  }
0xb1: {  	_ =	task.clear_ibuf [dreg:s7], $0x5FFFF;
	_ =	strace $0x90000046  }
0xb2: {  	s29 =	simm.s32 $0x9;
	_ =	strace $0x80000048  }
0xb3: {  	_ =	swait.ge [sflag:s29], $0x1  }
0xb4: {  	[sflag:s29] =	ssyncadd.s32 $0xFFFFFFFF  }
0xb5: {  	_ =	strace $0x90000048  }
0xb6: {  	_ =	sfence  }
0xb7: {  	s30 =	sld [smem:$0x0];
	_ =	sdelay $0x2  }
0xb8: {  	s31 =	sshll.u32 s1, $0xD;
	s1 =	sshrl.u32 s1, $0x2  }
0xb9: {  	s3 =	sand.u32 $0x4000, s31;
	s1 =	sadd.s32 s1, s30  }
0xba: {  	s0 =	sor.u32 s3, s0;
	s1 =	sshll.u32 s1, $0x11  }
0xbb: {  	s0 =	sor.u32 s1, s0  }
0xbc: {  	s0 =	sadd.s32 $0x8F2B, s0  }
0xbd: {  	[sflag:s0] =	ssyncadd.remote.s32 $0x1  }
0xbe: {  	_ =	sfence.sel $0xFFFF  }
0xbf: {  	[dreg:$0x0] =	wrdreg $0xFFFFFFFF;
	(pc) =	sbr.abs _section_cstart, $3  }
0xc0: {  	[dreg:$0x1] =	wrdreg $0xFFFFFFFF  }
0xc1: {  	_ =	task.clear_ibuf [dreg:s7], $0x2FFFF;
	_ =	strace $0x9FFFFFFF  }
0xc2: {  	(tm) =	ssettm $0x7FFFFFFF  }
0xc3: {  	_ =	shalt  }
tec
execute0_lowered:
.L_overlay_start_1:
0x0: {  	(tag) =	ssettag $0x1  }
0x1: {  	s0 =	srdreg.scid  }
0x2: {  	s1 =	sshll.u32 s0, $0x4  }
0x3: {  	s0 =	stileid.u32;
	s1 =	sand.u32 $0x10, s1  }
0x4: {  	s2 =	sor.u32 s0, s1  }
0x5: {  	s1 =	smin.u32 s2, $0x12  }
0x6: {  	s1 =	sadd.s32 s2, s1  }
0x7: {  	p0 =	slt.u32 s2, $0x12;
	s2 =	simm.s32 $0x320;
	s1 =	smul.u32 $0x190, s1  }
0x8: {  	s2 =	simm.s32 @!p0 $0x190  }
0x9: {  	s2 =	sadd.s32 s2, s1  }
0xa: {  	s3 =	smin.u32 s2, $0x4E20  }
0xb: {  	s7 =	ssub.s32 s3, s1  }
0xc: {  	p0 =	sgt.s32 s7, $0x0  }
0xd: {  	s7 =	simm.s32 @!p0 $0x0  }
0xe: {  	s31 =	sand.u32 $0xFFF0, s7  }
0xf: {  	s2 =	sshrl.u32 s31, $0x4  }
0x10: {  	s4 =	rddreg [dreg:$0x0];
	s2 =	smul.u32 $0xA3E, s2  }
0x11: {  	s5 =	rddreg [dreg:$0x1]  }
0x12: {  	s6 =	simm.s32 $0x1;
	s10 =	simm.s32 $0x3;
	s8 =	sshrl.u32 s2, $0x10  }
0x13: {  	s13 =	simm.s32 $0x0;
	s12 =	simm.s32 $0x0;
	s9 =	smul.u32 $0x190, s8  }
.Ltmp0:
0x14: {  	s11 =	smov.u32 s1;
	s2 =	rddreg [dreg:$0x2];
	(pc) =	sbr.rel .LBB2_1-.Ltmp0, $4  }
0x15: {  	_ =	strace $0x80000047;
	p0 =	sne.s32 s7, s9;
	s9 =	simm.s32 $0x1  }
0x16: {  	[sflag:s6] =	ssyncpa.u1 $0x0;
	s7 =	simm.s32 $0x2;
	s9 =	simm.s32 @!p0 $0x0  }
0x17: {  	[sflag:s7] =	ssyncpa.u1 $0x0;
	p0 =	por $0x0, $0x0;
	s8 =	sadd.s32 s8, s9  }
0x18: {  	vm0 =	vmmov $0xff;
	vm1 =	vcmask $0x3F20;
	s9 =	sadd.s32 $0x4E200, s4;
	[sflag:s10] =	ssyncpa.u1 $0x0;
	s10 =	sadd.s32 $0x1, s8  }
.LBB2_6:
0x19: {  	[hbm:s17] =	stream.linear.scatter [tilespmem:s14], [sflag:$0x3], $0x400, $0x38;
	[tilespmem:$0x19320] =	vst v63  }
.LBB2_7:
0x1a: {  	s13 =	sadd.s32 $0x190, s11  }
0x1b: {  	s15 =	smov.u32 s1;
	p2 =	slt.s32 s13, s3  }
0x1c: {  	s15 =	smov.u32 @p2 s13;
	p2 =	sne.s32 s12, s10  }
.Ltmp1:
0x1d: {  	p1 =	slt.u32 s12, $0x2;
	(pc) =	sbr.rel @!p2 .LBB2_8-.Ltmp1, $4  }
0x1e: {  	s14 =	simm.s32 @!p1 $0x3  }
0x1f: {  	s16 =	sadd.s32 $0x1, s12;
	_ =	swait.ge @!p1 [sflag:s14], $0xC800  }
0x20: {  	p0 =	por !p0, !p0;
	s13 =	smov.u32 s11;
	[sflag:s14] =	ssyncset.done @!p1 $0x0  }
0x21: {  	s12 =	smov.u32 s16;
	s11 =	smov.u32 s15;
	[sflag:s14] =	ssyncadd.s32 @!p1 $0xFFFF3800  }
.LBB2_1:
0x22: {  	p1 =	sge.u32 s12, s8  }
0x23: {  	s14 =	sxor.u32 @!p1 $0xFFFFFFFF, s12  }
0x24: {  	s14 =	sand.u32 @!p1 $0x1, s14  }
0x25: {  	s14 =	smul.u32 @!p1 $0x640, s14  }
0x26: {  	s31 =	sadd.s32 $0xFFFFFFFF, s12;
	s15 =	sshrl.u32 @!p1 s11, $0x3  }
0x27: {  	s16 =	sand.u32 @!p1 $0x7, s11;
	s15 =	sadd.s32 @!p1 s5, s15;
	s14 =	sshrl.u32 @!p1 s14, $0x2  }
0x28: {  	[tilespmem:s14], [sflag:$0x2] =	stream.linear.gather @!p1 [hbm4b:s15+s16], $0x190, $0x38;
	[tilespmem:$0x19320] =	vst v63  }
0x29: {  	p1 =	sge.u32 s31, s8  }
.Ltmp2:
0x2a: {  	_ = 	snop;
	(pc) =	sbr.rel @p1 .LBB2_7-.Ltmp2, $1  }
0x2b: {  	_ =	sdelay $0x3  }
0x2c: {  	s14 =	simm.s32 $0x1  }
0x2d: {  	s14 =	simm.s32 @!p0 $0x0  }
0x2e: {  	s15 =	smul.u32 $0x640, s14  }
0x2f: {  	_ =	swait.ge [sflag:s7], $0x190  }
0x30: {  	[sflag:s7] =	ssyncset.done $0x0;
	s16 =	sshrl.u32 s15, $0x2  }
0x31: {  	[sflag:s7] =	ssyncadd.s32 $0xFFFFFE70;
	s15 =	sadd.s32 $0x0, s16  }
0x32: {  	v0 =	vld.msk [tilespmem:s15+$0x0 ss:$0x1], $0xffff;
	_ =	sdelay $0x4  }
0x33: {  	vm2 =	vgt.s32 v0, $0x0  }
0x34: {  	v0 =	vnsel vm2, $0x0, v0  }
0x35: {  	v0 =	vmin.u32 v0, $0x4E1F  }
0x36: {  	v0 =	vshll.u32 v0, $0x4  }
0x37: {  	s14 =	smul.u32 $0x32000, s14;
	_ =	sdelay $0x1  }
0x38: {  	s14 =	sshrl.u32 s14, $0x2  }
0x39: {  	s14 =	sor.u32 $0x320, s14  }
0x3a: {  	[tilespmem:s14], [sflag:$0x1] =	stream.indirect_vreg.gather [hbm:s4], $0x80, v0, vm0, $0x38;
	[tilespmem:$0x19320] =	vst v63  }
0x3b: {  	s17 =	sadd.s32 $0x10, s16;
	s15 =	sadd.s32 $0x400, s14  }
0x3c: {  	[tilespmem:s15], [sflag:$0x1] =	stream.indirect_vreg.gather [hbm:s4], $0x80, v0, vm1, $0x38;
	[tilespmem:$0x19320] =	vst v63  }
0x3d: {  	s18 =	simm.s32 $0x80;
	v0 =	vld.msk [tilespmem:s17+$0x0 ss:$0x1], $0xffff;
	s17 =	smov.u32 s14  }
.LBB2_3:
0x3e: {  	p1 =	sne.s32 s18, $0x600;
	_ =	sdelay $0x4  }
0x3f: {  	vm2 =	vgt.s32 v0, $0x0  }
0x40: {  	v0 =	vnsel vm2, $0x0, v0  }
0x41: {  	v0 =	vmin.u32 v0, $0x4E1F  }
0x42: {  	v0 =	vshll.u32 v0, $0x4;
	_ =	sdelay $0x3  }
.Ltmp3:
0x43: {  	s19 =	sshra.s32 s18, $0x2;
	s17 =	sadd.s32 $0x800, s17;
	(pc) =	sbr.rel @p1 .LBB2_3-.Ltmp3, $4  }
0x44: {  	[tilespmem:s17], [sflag:$0x1] =	stream.indirect_vreg.gather [hbm:s4], $0x80, v0, vm0, $0x38;
	[tilespmem:$0x19320] =	vst v63  }
0x45: {  	s19 =	sadd.s32 s19, s16;
	s20 =	sadd.s32 $0x400, s17  }
0x46: {  	[tilespmem:s20], [sflag:$0x1] =	stream.indirect_vreg.gather [hbm:s4], $0x80, v0, vm1, $0x38;
	[tilespmem:$0x19320] =	vst v63  }
0x47: {  	s18 =	sadd.s32 $0x40, s18;
	v0 =	vld.msk [tilespmem:s19+$0x0 ss:$0x1], $0xffff  }
0x48: {  	_ =	sdelay $0x3  }
0x49: {  	vm2 =	vgt.s32 v0, $0x0  }
0x4a: {  	v0 =	vnsel vm2, $0x0, v0  }
0x4b: {  	v0 =	vmin.u32 v0, $0x4E1F  }
0x4c: {  	v0 =	vshll.u32 v0, $0x4;
	_ =	sdelay $0x3  }
0x4d: {  	s16 =	sadd.s32 $0x800, s17  }
0x4e: {  	[tilespmem:s16], [sflag:$0x1] =	stream.indirect_vreg.gather [hbm:s4], $0x80, v0, vm0, $0x38;
	[tilespmem:$0x19320] =	vst v63  }
0x4f: {  	s16 =	sadd.s32 $0x400, s16  }
0x50: {  	[tilespmem:s16], [sflag:$0x1] =	stream.indirect_vreg.gather [hbm:s4], $0x80, v0, vm1, $0x38;
	[tilespmem:$0x19320] =	vst v63  }
0x51: {  	s13 =	sshll.u32 s13, $0x4;
	_ =	swait.ge [sflag:s6], $0xC800  }
0x52: {  	s13 =	sadd.s32 s13, s9;
	[sflag:s6] =	ssyncset.done $0x0  }
0x53: {  	s17 =	sadd.s32 $0x0, s13;
	s16 =	simm.s32 $0x80;
	[sflag:s6] =	ssyncadd.s32 $0xFFFF3800  }
.LBB2_5:
0x54: {  	[hbm:s17] =	stream.linear.scatter [tilespmem:s14], [sflag:$0x3], $0x400, $0x38;
	[tilespmem:$0x19320] =	vst v63  }
0x55: {  	s17 =	smov.u32 s16;
	s14 =	smov.u32 s15;
	p1 =	sne.s32 s16, $0x1880  }
.Ltmp4:
0x56: {  	s16 =	sadd.s32 $0x80, s16;
	(pc) =	sbr.rel @p1 .LBB2_5-.Ltmp4, $2  }
0x57: {  	_ =	sdelay $0x2  }
0x58: {  	s15 =	sadd.s32 $0x400, s15;
	s17 =	sadd.s32 s17, s13  }
.Ltmp5:
0x59: {  	_ = 	snop;
	(pc) =	sbr.rel .LBB2_6-.Ltmp5, $1  }
0x5a: {  	_ =	sdelay $0x3  }
.LBB2_8:
0x5b: {  	_ =	sfence.sel $0x180000  }
0x5c: {  	s1 =	simm.s32 $0x2;
	[bflag:$0x0] =	sbarrier.arrive $0xFFFF  }
0x5d: {  	s30 =	simm.s32 $0x3;
	[sflag:s1] =	ssyncpa.u1 $0x1  }
0x5e: {  	s31 =	simm.s32 $0x1;
	[sflag:s30] =	ssyncpa.u1 $0x1  }
0x5f: {  	[sflag:s31] =	ssyncpa.u1 $0x1  }
0x60: {  	p0 =	sne.s32 s0, $0x0;
	_ =	strace $0x90000047  }
0x61: {  	s0 =	sadd.s32 @!p0 $0x100000, s2;
	[bflag:$0x2] =	sbarrier.arrive $0xFFFF  }
0x62: {  	[sflag:s0] =	ssyncadd.tile.s32 @!p0 $0x1;
	_ =	shalt  }
.Lfunc_end2:
_tile_overlayer_lowered:
.L_overlay_start_2:
0x63: {  	(tag) =	ssettag $0x2  }
0x64: {  	s0 =	rddreg [dreg:$0x0];
	s2 =	stileid.u32  }
0x65: {  	s1 =	rddreg [dreg:$0x1];
	p0 =	sne.s32 s2, $0x0  }
0x66: {  	s3 =	rddreg [dreg:$0x2];
	[bflag:$0x3] =	sbarrier.arrive $0xFFFF;
	s2 =	simm.s32 @!p0 $0x1C01  }
0x67: {  	[timem:s3], [sflag:s2] =	dma.local @!p0 [hbm:s0], s1  }
0x68: {  	s0 =	simm.s32 @!p0 $0x1  }
0x69: {  	_ =	swait.ge @!p0 [sflag:s0], s1  }
0x6a: {  	s1 =	ssub.s32 @!p0 $0x0, s1;
	[sflag:s0] =	ssyncset.done @!p0 $0x0  }
0x6b: {  	[sflag:s0] =	ssyncadd.s32 @!p0 s1  }
0x6c: {  	[bflag:$0x3] =	sbarrier.arrive $0xFFFF  }
0x6d: {  	_ =	shalt  }

</sc_bundles>
